<compile_context>
chip_gen: v7x
topology: tpu7x:2x2x1
jax: 0.10.2.dev20260603
libtpu: 0.0.44.dev20260713+nightly
codegen_flags: <defaults>
</compile_context>

<pallas_src>
import functools

import jax
import jax.numpy as jnp
from jax import lax
from jax.experimental import pallas as pl
from jax.experimental.pallas import tpu as pltpu
from jax.experimental.pallas import tpu_sc as plsc

_TIME_SCALE = 30.0
_B, _H, _W = 4096, 224, 224

_INFO = plsc.get_sparse_core_info()
_NC, _NS, _L = _INFO.num_cores, _INFO.num_subcores, _INFO.num_lanes
_NW = _NC * _NS
_BPW = _B // _NW
_CHUNKS = _BPW // _L

_mesh = plsc.VectorSubcoreMesh(core_axis_name="c", subcore_axis_name="s")


@functools.partial(
    pl.kernel,
    mesh=_mesh,
    compiler_params=pltpu.CompilerParams(needs_layout_passes=False),
    out_type=jax.ShapeDtypeStruct((_B,), jnp.float32),
    scratch_types=[
        pltpu.VMEM((_BPW,), jnp.int32),
        pltpu.VMEM((_BPW,), jnp.int32),
        pltpu.VMEM((_BPW,), jnp.int32),
        pltpu.VMEM((_BPW, _BPW), jnp.float32),
        pltpu.VMEM((_BPW,), jnp.float32),
        pltpu.SemaphoreType.DMA,
    ],
)
def _sc_gather(tab_hbm, x_hbm, y_hbm, out_hbm, x_v, y_v, row_v, sq_v,
               vals_v, sem):
    wid = lax.axis_index("s") * _NC + lax.axis_index("c")
    base = pl.multiple_of(wid * _BPW, _BPW)

    pltpu.sync_copy(x_hbm.at[pl.ds(base, _BPW)], x_v)
    pltpu.sync_copy(y_hbm.at[pl.ds(base, _BPW)], y_v)

    lane = lax.iota(jnp.int32, _L)
    for j in range(_CHUNKS):
        sl = pl.ds(_L * j, _L)
        row_v[sl] = y_v[sl] * _W + x_v[sl]

    pltpu.async_copy(
        tab_hbm.at[row_v, pl.ds(base, _BPW)], sq_v, sem).wait()

    for g in range(_CHUNKS):
        sl = pl.ds(_L * g, _L)
        iv = g * _L + lane
        picked = plsc.load_gather(sq_v, [iv, iv])
        vals_v[sl] = picked * _TIME_SCALE

    pltpu.sync_copy(vals_v, out_hbm.at[pl.ds(base, _BPW)])


def kernel(v_image, actor_pixel_selection):
    tab = jnp.transpose(v_image, (1, 2, 0)).reshape(_H * _W, _B)
    x = actor_pixel_selection[:, 0]
    y = actor_pixel_selection[:, 1]
    out = _sc_gather(tab, x, y)
    return out.reshape(_B, 1, 1)

# --- scband reference (transcript-rebuilt; emitter-appended) ---
"""Pipeline reference for scband-critic-model-39273180954737 (READ-ONLY COPY).

The authoritative reference and input builder live on the scoring server;
editing this copy changes nothing except your own understanding.
"""

import jax, jax.numpy as jnp
import numpy as np

TIME_SCALE = 30.0  # from FLAGS.time_scale
B, H, W = 4096, 224, 224


def setup_inputs(seed: int = 0) -> dict:
    key = jax.random.key(seed)
    k1, k2 = jax.random.split(key)
    v_image = jax.random.normal(k1, (B, H, W), dtype=jnp.float32)
    actor_pixel_selection = jax.random.randint(k2, (B, 2), 0, W, dtype=jnp.int32)
    return {"v_image": v_image, "actor_pixel_selection": actor_pixel_selection}


def reference(v_image, actor_pixel_selection):
    x_coords = actor_pixel_selection[:, 0]
    y_coords = actor_pixel_selection[:, 1]
    b, h, w = v_image.shape
    # torch: x_slice = x.long().unsqueeze(1).unsqueeze(2).expand(-1, H, -1); gather(dim=2)
    x_slice = jnp.broadcast_to(x_coords[:, None, None].astype(jnp.int32), (b, h, 1))
    value = jnp.take_along_axis(v_image, x_slice, axis=2)  # [B, H, 1]
    # torch: y_slice = y.long().unsqueeze(1).unsqueeze(2); gather(dim=1)
    y_slice = y_coords[:, None, None].astype(jnp.int32)
    values = jnp.take_along_axis(value, y_slice, axis=1)  # [B, 1, 1]
    return values * TIME_SCALE

if __name__ == "__main__":
    import jax
    _d = setup_inputs()
    print(jax.jit(kernel)(*tuple(_d.values())))

</pallas_src>

<mosaic_0001>
#map = affine_map<(d0, d1) -> (0, 0)>
#map1 = affine_map<(d0, d1) -> (0)>
module attributes {stable_mosaic.version = 14 : i64} {
  func.func @_sc_gather(%arg0: i32, %arg1: i32, %arg2: memref<50176x4096xf32, #tpu.memory_space<hbm>>, %arg3: memref<4096xi32, #tpu.memory_space<hbm>>, %arg4: memref<4096xi32, #tpu.memory_space<hbm>>, %arg5: memref<4096xf32, #tpu.memory_space<hbm>>, %arg6: memref<128xi32, #tpu.memory_space<vmem>>, %arg7: memref<128xi32, #tpu.memory_space<vmem>>, %arg8: memref<128xi32, #tpu.memory_space<vmem>>, %arg9: memref<128x128xf32, #tpu.memory_space<vmem>>, %arg10: memref<128xf32, #tpu.memory_space<vmem>>, %arg11: memref<!tpu.dma_semaphore, #tpu.memory_space<semaphore_mem>>) attributes {dimension_semantics = [#tpu.dimension_semantics<core_parallel>, #tpu.dimension_semantics<subcore_parallel>], iteration_bounds = array<i64: 2, 16>, scalar_prefetch = 0 : i64, scratch_operands = 6 : i64, tpu.core_type = #tpu.core_type<sc_vector_subcore>, window_params = [{transform_indices = #map}, {transform_indices = #map1}, {transform_indices = #map1}, {transform_indices = #map1}]} {
    %mul3A = arith.constant 2 : i32
    %mul3A_0 = arith.muli %arg1, %mul3A : i32
    %add3A = arith.addi %mul3A_0, %arg0 : i32
    %mul3A_1 = arith.constant 128 : i32
    %mul3A_2 = arith.muli %add3A, %mul3A_1 : i32
    %multiple_of3A = tpu.assume_multiple %mul3A_2, 128 : i32
    "tpu.region"() ({
      %run_scoped3A = tpu.sem_alloc : memref<!tpu.dma_semaphore, #tpu.memory_space<semaphore_mem>>
      %dma_start3A_154 = tpu.memref_slice %arg3[%multiple_of3A] : memref<4096xi32, #tpu.memory_space<hbm>> -> memref<128xi32, #tpu.memory_space<hbm>>
      %dma_start3A_155 = tpu.memref_slice %arg3[%multiple_of3A] : memref<4096xi32, #tpu.memory_space<hbm>> -> memref<128xi32, #tpu.memory_space<hbm>>
      tpu.enqueue_dma source(%dma_start3A_155 : memref<128xi32, #tpu.memory_space<hbm>>) target(%arg6 : memref<128xi32, #tpu.memory_space<vmem>>) target_semaphore(%run_scoped3A : memref<!tpu.dma_semaphore, #tpu.memory_space<semaphore_mem>>)
      %dma_wait3A_156 = tpu.memref_slice %arg3[%multiple_of3A] : memref<4096xi32, #tpu.memory_space<hbm>> -> memref<128xi32, #tpu.memory_space<hbm>>
      %dma_wait3A_157 = tpu.memref_slice %arg3[%multiple_of3A] : memref<4096xi32, #tpu.memory_space<hbm>> -> memref<128xi32, #tpu.memory_space<hbm>>
      tpu.wait_dma2 semaphore(%run_scoped3A : memref<!tpu.dma_semaphore, #tpu.memory_space<semaphore_mem>>) src(%dma_wait3A_157 : memref<128xi32, #tpu.memory_space<hbm>>) dst(%arg6 : memref<128xi32, #tpu.memory_space<vmem>>)
      tpu.yield
    }) : () -> ()
    "tpu.region"() ({
      %run_scoped3A = tpu.sem_alloc : memref<!tpu.dma_semaphore, #tpu.memory_space<semaphore_mem>>
      %dma_start3A_154 = tpu.memref_slice %arg4[%multiple_of3A] : memref<4096xi32, #tpu.memory_space<hbm>> -> memref<128xi32, #tpu.memory_space<hbm>>
      %dma_start3A_155 = tpu.memref_slice %arg4[%multiple_of3A] : memref<4096xi32, #tpu.memory_space<hbm>> -> memref<128xi32, #tpu.memory_space<hbm>>
      tpu.enqueue_dma source(%dma_start3A_155 : memref<128xi32, #tpu.memory_space<hbm>>) target(%arg7 : memref<128xi32, #tpu.memory_space<vmem>>) target_semaphore(%run_scoped3A : memref<!tpu.dma_semaphore, #tpu.memory_space<semaphore_mem>>)
      %dma_wait3A_156 = tpu.memref_slice %arg4[%multiple_of3A] : memref<4096xi32, #tpu.memory_space<hbm>> -> memref<128xi32, #tpu.memory_space<hbm>>
      %dma_wait3A_157 = tpu.memref_slice %arg4[%multiple_of3A] : memref<4096xi32, #tpu.memory_space<hbm>> -> memref<128xi32, #tpu.memory_space<hbm>>
      tpu.wait_dma2 semaphore(%run_scoped3A : memref<!tpu.dma_semaphore, #tpu.memory_space<semaphore_mem>>) src(%dma_wait3A_157 : memref<128xi32, #tpu.memory_space<hbm>>) dst(%arg7 : memref<128xi32, #tpu.memory_space<vmem>>)
      tpu.yield
    }) : () -> ()
    %iota3A = tpu.iota {dimensions = array<i32: 0>} : vector<16xi32>
    %get3A = arith.constant 0 : index
    %get3A_3 = tpu.vector_load %arg7[%get3A] {strides = array<i32>} : memref<128xi32, #tpu.memory_space<vmem>>, vector<16xi32>,
    %mul3A_4 = arith.constant 224 : i32
    %mul3A_5 = vector.broadcast %mul3A_4 : i32 to vector<16xi32>
    %mul3A_6 = arith.muli %get3A_3, %mul3A_5 : vector<16xi32>
    %get3A_7 = arith.constant 0 : index
    %get3A_8 = tpu.vector_load %arg6[%get3A_7] {strides = array<i32>} : memref<128xi32, #tpu.memory_space<vmem>>, vector<16xi32>,
    %add3A_9 = arith.addi %mul3A_6, %get3A_8 : vector<16xi32>
    %swap3A = arith.constant 0 : index
    %swap3A_10 = tpu.vector_load %arg8[%swap3A] {strides = array<i32>} : memref<128xi32, #tpu.memory_space<vmem>>, vector<16xi32>,
    tpu.vector_store %arg8[%swap3A], %add3A_9 {strides = array<i32>} : memref<128xi32, #tpu.memory_space<vmem>>, vector<16xi32>,
    %get3A_11 = arith.constant 16 : index
    %get3A_12 = tpu.vector_load %arg7[%get3A_11] {strides = array<i32>} : memref<128xi32, #tpu.memory_space<vmem>>, vector<16xi32>,
    %mul3A_13 = arith.constant 224 : i32
    %mul3A_14 = vector.broadcast %mul3A_13 : i32 to vector<16xi32>
    %mul3A_15 = arith.muli %get3A_12, %mul3A_14 : vector<16xi32>
    %get3A_16 = arith.constant 16 : index
    %get3A_17 = tpu.vector_load %arg6[%get3A_16] {strides = array<i32>} : memref<128xi32, #tpu.memory_space<vmem>>, vector<16xi32>,
    %add3A_18 = arith.addi %mul3A_15, %get3A_17 : vector<16xi32>
    %swap3A_19 = arith.constant 16 : index
    %swap3A_20 = tpu.vector_load %arg8[%swap3A_19] {strides = array<i32>} : memref<128xi32, #tpu.memory_space<vmem>>, vector<16xi32>,
    tpu.vector_store %arg8[%swap3A_19], %add3A_18 {strides = array<i32>} : memref<128xi32, #tpu.memory_space<vmem>>, vector<16xi32>,
    %get3A_21 = arith.constant 32 : index
    %get3A_22 = tpu.vector_load %arg7[%get3A_21] {strides = array<i32>} : memref<128xi32, #tpu.memory_space<vmem>>, vector<16xi32>,
    %mul3A_23 = arith.constant 224 : i32
    %mul3A_24 = vector.broadcast %mul3A_23 : i32 to vector<16xi32>
    %mul3A_25 = arith.muli %get3A_22, %mul3A_24 : vector<16xi32>
    %get3A_26 = arith.constant 32 : index
    %get3A_27 = tpu.vector_load %arg6[%get3A_26] {strides = array<i32>} : memref<128xi32, #tpu.memory_space<vmem>>, vector<16xi32>,
    %add3A_28 = arith.addi %mul3A_25, %get3A_27 : vector<16xi32>
    %swap3A_29 = arith.constant 32 : index
    %swap3A_30 = tpu.vector_load %arg8[%swap3A_29] {strides = array<i32>} : memref<128xi32, #tpu.memory_space<vmem>>, vector<16xi32>,
    tpu.vector_store %arg8[%swap3A_29], %add3A_28 {strides = array<i32>} : memref<128xi32, #tpu.memory_space<vmem>>, vector<16xi32>,
    %get3A_31 = arith.constant 48 : index
    %get3A_32 = tpu.vector_load %arg7[%get3A_31] {strides = array<i32>} : memref<128xi32, #tpu.memory_space<vmem>>, vector<16xi32>,
    %mul3A_33 = arith.constant 224 : i32
    %mul3A_34 = vector.broadcast %mul3A_33 : i32 to vector<16xi32>
    %mul3A_35 = arith.muli %get3A_32, %mul3A_34 : vector<16xi32>
    %get3A_36 = arith.constant 48 : index
    %get3A_37 = tpu.vector_load %arg6[%get3A_36] {strides = array<i32>} : memref<128xi32, #tpu.memory_space<vmem>>, vector<16xi32>,
    %add3A_38 = arith.addi %mul3A_35, %get3A_37 : vector<16xi32>
    %swap3A_39 = arith.constant 48 : index
    %swap3A_40 = tpu.vector_load %arg8[%swap3A_39] {strides = array<i32>} : memref<128xi32, #tpu.memory_space<vmem>>, vector<16xi32>,
    tpu.vector_store %arg8[%swap3A_39], %add3A_38 {strides = array<i32>} : memref<128xi32, #tpu.memory_space<vmem>>, vector<16xi32>,
    %get3A_41 = arith.constant 64 : index
    %get3A_42 = tpu.vector_load %arg7[%get3A_41] {strides = array<i32>} : memref<128xi32, #tpu.memory_space<vmem>>, vector<16xi32>,
    %mul3A_43 = arith.constant 224 : i32
    %mul3A_44 = vector.broadcast %mul3A_43 : i32 to vector<16xi32>
    %mul3A_45 = arith.muli %get3A_42, %mul3A_44 : vector<16xi32>
    %get3A_46 = arith.constant 64 : index
    %get3A_47 = tpu.vector_load %arg6[%get3A_46] {strides = array<i32>} : memref<128xi32, #tpu.memory_space<vmem>>, vector<16xi32>,
    %add3A_48 = arith.addi %mul3A_45, %get3A_47 : vector<16xi32>
    %swap3A_49 = arith.constant 64 : index
    %swap3A_50 = tpu.vector_load %arg8[%swap3A_49] {strides = array<i32>} : memref<128xi32, #tpu.memory_space<vmem>>, vector<16xi32>,
    tpu.vector_store %arg8[%swap3A_49], %add3A_48 {strides = array<i32>} : memref<128xi32, #tpu.memory_space<vmem>>, vector<16xi32>,
    %get3A_51 = arith.constant 80 : index
    %get3A_52 = tpu.vector_load %arg7[%get3A_51] {strides = array<i32>} : memref<128xi32, #tpu.memory_space<vmem>>, vector<16xi32>,
    %mul3A_53 = arith.constant 224 : i32
    %mul3A_54 = vector.broadcast %mul3A_53 : i32 to vector<16xi32>
    %mul3A_55 = arith.muli %get3A_52, %mul3A_54 : vector<16xi32>
    %get3A_56 = arith.constant 80 : index
    %get3A_57 = tpu.vector_load %arg6[%get3A_56] {strides = array<i32>} : memref<128xi32, #tpu.memory_space<vmem>>, vector<16xi32>,
    %add3A_58 = arith.addi %mul3A_55, %get3A_57 : vector<16xi32>
    %swap3A_59 = arith.constant 80 : index
    %swap3A_60 = tpu.vector_load %arg8[%swap3A_59] {strides = array<i32>} : memref<128xi32, #tpu.memory_space<vmem>>, vector<16xi32>,
    tpu.vector_store %arg8[%swap3A_59], %add3A_58 {strides = array<i32>} : memref<128xi32, #tpu.memory_space<vmem>>, vector<16xi32>,
    %get3A_61 = arith.constant 96 : index
    %get3A_62 = tpu.vector_load %arg7[%get3A_61] {strides = array<i32>} : memref<128xi32, #tpu.memory_space<vmem>>, vector<16xi32>,
    %mul3A_63 = arith.constant 224 : i32
    %mul3A_64 = vector.broadcast %mul3A_63 : i32 to vector<16xi32>
    %mul3A_65 = arith.muli %get3A_62, %mul3A_64 : vector<16xi32>
    %get3A_66 = arith.constant 96 : index
    %get3A_67 = tpu.vector_load %arg6[%get3A_66] {strides = array<i32>} : memref<128xi32, #tpu.memory_space<vmem>>, vector<16xi32>,
    %add3A_68 = arith.addi %mul3A_65, %get3A_67 : vector<16xi32>
    %swap3A_69 = arith.constant 96 : index
    %swap3A_70 = tpu.vector_load %arg8[%swap3A_69] {strides = array<i32>} : memref<128xi32, #tpu.memory_space<vmem>>, vector<16xi32>,
    tpu.vector_store %arg8[%swap3A_69], %add3A_68 {strides = array<i32>} : memref<128xi32, #tpu.memory_space<vmem>>, vector<16xi32>,
    %get3A_71 = arith.constant 112 : index
    %get3A_72 = tpu.vector_load %arg7[%get3A_71] {strides = array<i32>} : memref<128xi32, #tpu.memory_space<vmem>>, vector<16xi32>,
    %mul3A_73 = arith.constant 224 : i32
    %mul3A_74 = vector.broadcast %mul3A_73 : i32 to vector<16xi32>
    %mul3A_75 = arith.muli %get3A_72, %mul3A_74 : vector<16xi32>
    %get3A_76 = arith.constant 112 : index
    %get3A_77 = tpu.vector_load %arg6[%get3A_76] {strides = array<i32>} : memref<128xi32, #tpu.memory_space<vmem>>, vector<16xi32>,
    %add3A_78 = arith.addi %mul3A_75, %get3A_77 : vector<16xi32>
    %swap3A_79 = arith.constant 112 : index
    %swap3A_80 = tpu.vector_load %arg8[%swap3A_79] {strides = array<i32>} : memref<128xi32, #tpu.memory_space<vmem>>, vector<16xi32>,
    tpu.vector_store %arg8[%swap3A_79], %add3A_78 {strides = array<i32>} : memref<128xi32, #tpu.memory_space<vmem>>, vector<16xi32>,
    %dma_start3A = arith.constant 0 : i32
    %dma_start3A_81 = tpu.memref_slice %arg2[%dma_start3A, %multiple_of3A] : memref<50176x4096xf32, #tpu.memory_space<hbm>> -> memref<50176x128xf32, #tpu.memory_space<hbm>>
    tpu.enqueue_indirect_dma source(%dma_start3A_81 : memref<50176x128xf32, #tpu.memory_space<hbm>>) target(%arg9 : memref<128x128xf32, #tpu.memory_space<vmem>>) offsets(%arg8 : memref<128xi32, #tpu.memory_space<vmem>>) semaphore(%arg11 : memref<!tpu.dma_semaphore, #tpu.memory_space<semaphore_mem>>)
    %dma_wait3A = arith.constant 0 : i32
    %dma_wait3A_82 = tpu.memref_slice %arg2[%dma_wait3A, %multiple_of3A] : memref<50176x4096xf32, #tpu.memory_space<hbm>> -> memref<50176x128xf32, #tpu.memory_space<hbm>>
    tpu.wait_indirect_dma semaphore(%arg11 : memref<!tpu.dma_semaphore, #tpu.memory_space<semaphore_mem>>) src(%dma_wait3A_82 : memref<50176x128xf32, #tpu.memory_space<hbm>>) dst(%arg9 : memref<128x128xf32, #tpu.memory_space<vmem>>)
    %add3A_83 = arith.constant 0 : i32
    %add3A_84 = vector.broadcast %add3A_83 : i32 to vector<16xi32>
    %add3A_85 = arith.addi %add3A_84, %iota3A : vector<16xi32>
    %gather3A = tpu.vector_load_idx %arg9[%add3A_85, %add3A_85] : memref<128x128xf32, #tpu.memory_space<vmem>>[vector<16xi32>, vector<16xi32>], vector<16xf32>,
    %mul3A_86 = arith.constant 3.000000e+01 : f32
    %mul3A_87 = vector.broadcast %mul3A_86 : f32 to vector<16xf32>
    %mul3A_88 = arith.mulf %gather3A, %mul3A_87 : vector<16xf32>
    %swap3A_89 = arith.constant 0 : index
    %swap3A_90 = tpu.vector_load %arg10[%swap3A_89] {strides = array<i32>} : memref<128xf32, #tpu.memory_space<vmem>>, vector<16xf32>,
    tpu.vector_store %arg10[%swap3A_89], %mul3A_88 {strides = array<i32>} : memref<128xf32, #tpu.memory_space<vmem>>, vector<16xf32>,
    %add3A_91 = arith.constant 16 : i32
    %add3A_92 = vector.broadcast %add3A_91 : i32 to vector<16xi32>
    %add3A_93 = arith.addi %add3A_92, %iota3A : vector<16xi32>
    %gather3A_94 = tpu.vector_load_idx %arg9[%add3A_93, %add3A_93] : memref<128x128xf32, #tpu.memory_space<vmem>>[vector<16xi32>, vector<16xi32>], vector<16xf32>,
    %mul3A_95 = arith.constant 3.000000e+01 : f32
    %mul3A_96 = vector.broadcast %mul3A_95 : f32 to vector<16xf32>
    %mul3A_97 = arith.mulf %gather3A_94, %mul3A_96 : vector<16xf32>
    %swap3A_98 = arith.constant 16 : index
    %swap3A_99 = tpu.vector_load %arg10[%swap3A_98] {strides = array<i32>} : memref<128xf32, #tpu.memory_space<vmem>>, vector<16xf32>,
    tpu.vector_store %arg10[%swap3A_98], %mul3A_97 {strides = array<i32>} : memref<128xf32, #tpu.memory_space<vmem>>, vector<16xf32>,
    %add3A_100 = arith.constant 32 : i32
    %add3A_101 = vector.broadcast %add3A_100 : i32 to vector<16xi32>
    %add3A_102 = arith.addi %add3A_101, %iota3A : vector<16xi32>
    %gather3A_103 = tpu.vector_load_idx %arg9[%add3A_102, %add3A_102] : memref<128x128xf32, #tpu.memory_space<vmem>>[vector<16xi32>, vector<16xi32>], vector<16xf32>,
    %mul3A_104 = arith.constant 3.000000e+01 : f32
    %mul3A_105 = vector.broadcast %mul3A_104 : f32 to vector<16xf32>
    %mul3A_106 = arith.mulf %gather3A_103, %mul3A_105 : vector<16xf32>
    %swap3A_107 = arith.constant 32 : index
    %swap3A_108 = tpu.vector_load %arg10[%swap3A_107] {strides = array<i32>} : memref<128xf32, #tpu.memory_space<vmem>>, vector<16xf32>,
    tpu.vector_store %arg10[%swap3A_107], %mul3A_106 {strides = array<i32>} : memref<128xf32, #tpu.memory_space<vmem>>, vector<16xf32>,
    %add3A_109 = arith.constant 48 : i32
    %add3A_110 = vector.broadcast %add3A_109 : i32 to vector<16xi32>
    %add3A_111 = arith.addi %add3A_110, %iota3A : vector<16xi32>
    %gather3A_112 = tpu.vector_load_idx %arg9[%add3A_111, %add3A_111] : memref<128x128xf32, #tpu.memory_space<vmem>>[vector<16xi32>, vector<16xi32>], vector<16xf32>,
    %mul3A_113 = arith.constant 3.000000e+01 : f32
    %mul3A_114 = vector.broadcast %mul3A_113 : f32 to vector<16xf32>
    %mul3A_115 = arith.mulf %gather3A_112, %mul3A_114 : vector<16xf32>
    %swap3A_116 = arith.constant 48 : index
    %swap3A_117 = tpu.vector_load %arg10[%swap3A_116] {strides = array<i32>} : memref<128xf32, #tpu.memory_space<vmem>>, vector<16xf32>,
    tpu.vector_store %arg10[%swap3A_116], %mul3A_115 {strides = array<i32>} : memref<128xf32, #tpu.memory_space<vmem>>, vector<16xf32>,
    %add3A_118 = arith.constant 64 : i32
    %add3A_119 = vector.broadcast %add3A_118 : i32 to vector<16xi32>
    %add3A_120 = arith.addi %add3A_119, %iota3A : vector<16xi32>
    %gather3A_121 = tpu.vector_load_idx %arg9[%add3A_120, %add3A_120] : memref<128x128xf32, #tpu.memory_space<vmem>>[vector<16xi32>, vector<16xi32>], vector<16xf32>,
    %mul3A_122 = arith.constant 3.000000e+01 : f32
    %mul3A_123 = vector.broadcast %mul3A_122 : f32 to vector<16xf32>
    %mul3A_124 = arith.mulf %gather3A_121, %mul3A_123 : vector<16xf32>
    %swap3A_125 = arith.constant 64 : index
    %swap3A_126 = tpu.vector_load %arg10[%swap3A_125] {strides = array<i32>} : memref<128xf32, #tpu.memory_space<vmem>>, vector<16xf32>,
    tpu.vector_store %arg10[%swap3A_125], %mul3A_124 {strides = array<i32>} : memref<128xf32, #tpu.memory_space<vmem>>, vector<16xf32>,
    %add3A_127 = arith.constant 80 : i32
    %add3A_128 = vector.broadcast %add3A_127 : i32 to vector<16xi32>
    %add3A_129 = arith.addi %add3A_128, %iota3A : vector<16xi32>
    %gather3A_130 = tpu.vector_load_idx %arg9[%add3A_129, %add3A_129] : memref<128x128xf32, #tpu.memory_space<vmem>>[vector<16xi32>, vector<16xi32>], vector<16xf32>,
    %mul3A_131 = arith.constant 3.000000e+01 : f32
    %mul3A_132 = vector.broadcast %mul3A_131 : f32 to vector<16xf32>
    %mul3A_133 = arith.mulf %gather3A_130, %mul3A_132 : vector<16xf32>
    %swap3A_134 = arith.constant 80 : index
    %swap3A_135 = tpu.vector_load %arg10[%swap3A_134] {strides = array<i32>} : memref<128xf32, #tpu.memory_space<vmem>>, vector<16xf32>,
    tpu.vector_store %arg10[%swap3A_134], %mul3A_133 {strides = array<i32>} : memref<128xf32, #tpu.memory_space<vmem>>, vector<16xf32>,
    %add3A_136 = arith.constant 96 : i32
    %add3A_137 = vector.broadcast %add3A_136 : i32 to vector<16xi32>
    %add3A_138 = arith.addi %add3A_137, %iota3A : vector<16xi32>
    %gather3A_139 = tpu.vector_load_idx %arg9[%add3A_138, %add3A_138] : memref<128x128xf32, #tpu.memory_space<vmem>>[vector<16xi32>, vector<16xi32>], vector<16xf32>,
    %mul3A_140 = arith.constant 3.000000e+01 : f32
    %mul3A_141 = vector.broadcast %mul3A_140 : f32 to vector<16xf32>
    %mul3A_142 = arith.mulf %gather3A_139, %mul3A_141 : vector<16xf32>
    %swap3A_143 = arith.constant 96 : index
    %swap3A_144 = tpu.vector_load %arg10[%swap3A_143] {strides = array<i32>} : memref<128xf32, #tpu.memory_space<vmem>>, vector<16xf32>,
    tpu.vector_store %arg10[%swap3A_143], %mul3A_142 {strides = array<i32>} : memref<128xf32, #tpu.memory_space<vmem>>, vector<16xf32>,
    %add3A_145 = arith.constant 112 : i32
    %add3A_146 = vector.broadcast %add3A_145 : i32 to vector<16xi32>
    %add3A_147 = arith.addi %add3A_146, %iota3A : vector<16xi32>
    %gather3A_148 = tpu.vector_load_idx %arg9[%add3A_147, %add3A_147] : memref<128x128xf32, #tpu.memory_space<vmem>>[vector<16xi32>, vector<16xi32>], vector<16xf32>,
    %mul3A_149 = arith.constant 3.000000e+01 : f32
    %mul3A_150 = vector.broadcast %mul3A_149 : f32 to vector<16xf32>
    %mul3A_151 = arith.mulf %gather3A_148, %mul3A_150 : vector<16xf32>
    %swap3A_152 = arith.constant 112 : index
    %swap3A_153 = tpu.vector_load %arg10[%swap3A_152] {strides = array<i32>} : memref<128xf32, #tpu.memory_space<vmem>>, vector<16xf32>,
    tpu.vector_store %arg10[%swap3A_152], %mul3A_151 {strides = array<i32>} : memref<128xf32, #tpu.memory_space<vmem>>, vector<16xf32>,
    "tpu.region"() ({
      %run_scoped3A = tpu.sem_alloc : memref<!tpu.dma_semaphore, #tpu.memory_space<semaphore_mem>>
      %dma_start3A_154 = tpu.memref_slice %arg5[%multiple_of3A] : memref<4096xf32, #tpu.memory_space<hbm>> -> memref<128xf32, #tpu.memory_space<hbm>>
      %dma_start3A_155 = tpu.memref_slice %arg5[%multiple_of3A] : memref<4096xf32, #tpu.memory_space<hbm>> -> memref<128xf32, #tpu.memory_space<hbm>>
      tpu.enqueue_dma source(%arg10 : memref<128xf32, #tpu.memory_space<vmem>>) target(%dma_start3A_155 : memref<128xf32, #tpu.memory_space<hbm>>) target_semaphore(%run_scoped3A : memref<!tpu.dma_semaphore, #tpu.memory_space<semaphore_mem>>)
      %dma_wait3A_156 = tpu.memref_slice %arg5[%multiple_of3A] : memref<4096xf32, #tpu.memory_space<hbm>> -> memref<128xf32, #tpu.memory_space<hbm>>
      %dma_wait3A_157 = tpu.memref_slice %arg5[%multiple_of3A] : memref<4096xf32, #tpu.memory_space<hbm>> -> memref<128xf32, #tpu.memory_space<hbm>>
      tpu.wait_dma2 semaphore(%run_scoped3A : memref<!tpu.dma_semaphore, #tpu.memory_space<semaphore_mem>>) src(%arg10 : memref<128xf32, #tpu.memory_space<vmem>>) dst(%dma_wait3A_157 : memref<128xf32, #tpu.memory_space<hbm>>)
      tpu.yield
    }) : () -> ()
    return
  }
}

</mosaic_0001>

<sc_bundles>
// kernel: kernel.3.cloned.1.call-start
scs
__scs_entry_jumppad:
0x0: {  	(pc) =	sbr.rel $0x88, $3  }
0x1: {  	(tag) =	ssettag $0x0;
	lr =	simm.s32 $0x1  }
0x2: {  	[smem:$0x3F9F] =	sst lr;
	_ =	strace $0xD0000000  }
0x3: {  	_ = 	snop  }
0x4: {  	_ = 	snop  }
0x5: {  	_ = 	snop  }
0x6: {  	_ = 	snop  }
0x7: {  	_ = 	snop  }
__scs_overlays_trampoline_lowered:
0x8: {  	[smem:$0x3FAE] =	sst s0  }
0x9: {  	[smem:$0x3FAF] =	sst s1  }
0xa: {  	[smem:$0x3FB0] =	sst s2  }
0xb: {  	[smem:$0x3FB1] =	sst s3  }
0xc: {  	[smem:$0x3FB2] =	sst s4  }
0xd: {  	[smem:$0x3FB3] =	sst s5  }
0xe: {  	[smem:$0x3FB4] =	sst s6  }
0xf: {  	[smem:$0x3FB5] =	sst s7  }
0x10: {  	[smem:$0x3FB6] =	sst s8  }
0x11: {  	[smem:$0x3FB7] =	sst s9;
	s0 =	simm.s32 @!p0 $0x0  }
0x12: {  	s1 =	sld [smem:$0x3F9D];
	s0 =	simm.s32 @p0 $0x1  }
0x13: {  	[smem:$0x3FB8] =	sst s0;
	s0 =	simm.s32 @!p1 $0x0  }
0x14: {  	s2 =	sld [smem:$0x3F9C];
	s0 =	simm.s32 @p1 $0x1  }
0x15: {  	[smem:$0x3FB9] =	sst s0;
	s0 =	simm.s32 @!p2 $0x0  }
0x16: {  	s3 =	sld [smem:$0x3FDB];
	s0 =	simm.s32 @p2 $0x1  }
0x17: {  	s4 =	simm.s32 $0x1BF5;
	[smem:$0x3FBB] =	sst s0  }
0x18: {  	s0 =	sld [smem:$0x3F9E];
	_ =	swait.ge [sflag:s4], $0x0  }
0x19: {  	s7 =	sld [smem:$0x3F9F]  }
0x1a: {  	s8 =	sadd.s32 $0xFFFFE003, lr  }
0x1b: {  	s9 =	sadd.s32 $0xFFFFFEF7, lr;
	s5 =	simm.s32 $0xFFFFFFFF;
	p2 =	slt.u32 s8, $0xFFFFF086  }
0x1c: {  	p1 =	slt.u32 s9, $0xF7A;
	s5 =	simm.s32 @!p2 $0x0  }
0x1d: {  	s5 =	simm.s32 @p1 $0x1;
	p0 =	seq.s32 s7, s2  }
0x1e: {  	s7 =	smul.u32 @!p0 $0xF7A, s2;
	p2 =	seq.s32 @!p0 s5, $0x0  }
0x1f: {  	s9 =	smul.u32 $0xF7A, s1;
	s8 =	simm.s32 @!p0 $0x1BF5;
	p2 =	por !p2, p0  }
0x20: {  	[sflag:s8] =	ssyncset.s32 @!p0 $0xFFFFF086;
	s6 =	sadd.s32 @!p0 s3, s7;
	s7 =	simm.s32 @!p0 $0x108  }
0x21: {  	s3 =	sadd.s32 s3, s9;
	s6 =	sadd.s32 @!p0 $0x88, s6;
	s7 =	simm.s32 @p2 $0x1082  }
0x22: {  	[simem:s7], [sflag:s8] =	dma.local @!p0 [hbm:s6], $0xF7A  }
0x23: {  	s9 =	sor.u32 $0xD0000000, s2;
	s6 =	simm.s32 $0x108;
	_ =	swait.ge @!p0 [sflag:s8], $0x0  }
0x24: {  	s3 =	sadd.s32 $0x88, s3;
	s6 =	simm.s32 @!p1 $0x1082;
	[sflag:s4] =	ssyncset.s32 $0xFFFFF086  }
0x25: {  	[simem:s6], [sflag:s4] =	dma.local [hbm:s3], $0xF7A  }
0x26: {  	[smem:$0x3F9F] =	sst s1;
	(tag) =	ssettag s2;
	_ =	strace s9  }
0x27: {  	s1 =	sld [smem:$0x3FAF]  }
0x28: {  	s2 =	sld [smem:$0x3FB0]  }
0x29: {  	s4 =	sld [smem:$0x3FB2]  }
0x2a: {  	p0 =	seq.s32 s5, $0x0;
	s5 =	sld [smem:$0x3FB3]  }
0x2b: {  	s6 =	sld [smem:$0x3FB4]  }
0x2c: {  	s7 =	sld [smem:$0x3FB5]  }
0x2d: {  	s3 =	simm.s32 $0x108;
	s8 =	sld [smem:$0x3FB6]  }
0x2e: {  	s3 =	simm.s32 @!p0 $0x1082;
	s9 =	sld [smem:$0x3FB7]  }
0x2f: {  	lr =	sadd.s32 s0, s3;
	s0 =	sld [smem:$0x3FAE]  }
0x30: {  	s3 =	sld [smem:$0x3FB1]  }
0x31: {  	[smem:$0x3FBA] =	sst s10  }
0x32: {  	s10 =	sld [smem:$0x3FB8];
	_ =	sdelay $0x3  }
0x33: {  	p0 =	seq.s32 s10, $0x1;
	s10 =	sld [smem:$0x3FBA];
	_ =	sdelay $0x3  }
0x34: {  	[smem:$0x3FBA] =	sst s10  }
0x35: {  	s10 =	sld [smem:$0x3FB9];
	_ =	sdelay $0x3  }
0x36: {  	p1 =	seq.s32 s10, $0x1;
	s10 =	sld [smem:$0x3FBA];
	_ =	sdelay $0x3  }
0x37: {  	[smem:$0x3FBA] =	sst s10  }
0x38: {  	s10 =	sld [smem:$0x3FBB]  }
0x39: {  	_ = 	snop;
	(pc) =	sbr.ind lr, $3  }
0x3a: {  	_ = 	snop  }
0x3b: {  	_ = 	snop  }
0x3c: {  	p2 =	seq.s32 s10, $0x1;
	s10 =	sld [smem:$0x3FBA]  }
0x3d: {  	_ =	shalt  }
0x3e: {  	_ =	shalt  }
0x3f: {  	_ =	shalt  }
0x40: {  	_ =	shalt  }
0x41: {  	_ =	shalt  }
0x42: {  	_ =	shalt  }
0x43: {  	_ =	shalt  }
0x44: {  	_ =	shalt  }
0x45: {  	_ =	shalt  }
0x46: {  	_ =	shalt  }
0x47: {  	_ =	shalt  }
0x48: {  	_ =	shalt  }
0x49: {  	_ =	shalt  }
0x4a: {  	_ =	shalt  }
0x4b: {  	_ =	shalt  }
0x4c: {  	_ =	shalt  }
0x4d: {  	_ =	shalt  }
0x4e: {  	_ =	shalt  }
0x4f: {  	_ =	shalt  }
0x50: {  	_ =	shalt  }
0x51: {  	_ =	shalt  }
0x52: {  	_ =	shalt  }
0x53: {  	_ =	shalt  }
0x54: {  	_ =	shalt  }
0x55: {  	_ =	shalt  }
0x56: {  	_ =	shalt  }
0x57: {  	_ =	shalt  }
0x58: {  	_ =	shalt  }
0x59: {  	_ =	shalt  }
0x5a: {  	_ =	shalt  }
0x5b: {  	_ =	shalt  }
0x5c: {  	_ =	shalt  }
0x5d: {  	_ =	shalt  }
0x5e: {  	_ =	shalt  }
0x5f: {  	_ =	shalt  }
0x60: {  	_ =	shalt  }
0x61: {  	_ =	shalt  }
0x62: {  	_ =	shalt  }
0x63: {  	_ =	shalt  }
0x64: {  	_ =	shalt  }
0x65: {  	_ =	shalt  }
0x66: {  	_ =	shalt  }
0x67: {  	_ =	shalt  }
0x68: {  	_ =	shalt  }
0x69: {  	_ =	shalt  }
0x6a: {  	_ =	shalt  }
0x6b: {  	_ =	shalt  }
0x6c: {  	_ =	shalt  }
0x6d: {  	_ =	shalt  }
0x6e: {  	_ =	shalt  }
0x6f: {  	_ =	shalt  }
0x70: {  	_ =	shalt  }
0x71: {  	_ =	shalt  }
0x72: {  	_ =	shalt  }
0x73: {  	_ =	shalt  }
0x74: {  	_ =	shalt  }
0x75: {  	_ =	shalt  }
0x76: {  	_ =	shalt  }
0x77: {  	_ =	shalt  }
0x78: {  	_ =	shalt  }
0x79: {  	_ =	shalt  }
0x7a: {  	_ =	shalt  }
0x7b: {  	_ =	shalt  }
0x7c: {  	_ =	shalt  }
0x7d: {  	_ =	shalt  }
0x7e: {  	_ =	shalt  }
0x7f: {  	_ =	shalt  }
0x80: {  	_ =	shalt  }
0x81: {  	_ =	shalt  }
0x82: {  	_ =	shalt  }
0x83: {  	_ =	shalt  }
0x84: {  	_ =	shalt  }
0x85: {  	_ =	shalt  }
0x86: {  	_ =	shalt  }
0x87: {  	_ =	shalt  }
.Lfunc_end0:
.L_simem_size_0:
called_computation_lowered:
.L_overlay_start_0:
0x88: {  	s2 =	sld [smem:$0x3FD9]  }
0x89: {  	s3 =	sld [smem:$0x3FFE];
	_ =	sdelay $0x1  }
0x8a: {  	s1 =	srdreg.scid  }
0x8b: {  	s0 =	sand.u32 $0x1, s1  }
0x8c: {  	s17 =	sshll.u32 s0, $0xA;
	s2 =	sadd.s32 s3, s2  }
0x8d: {  	s2 =	sadd.s32 s2, s17  }
0x8e: {  	[smem:$0x3FC6] =	sst s2  }
0x8f: {  	_ = 	snop  }
0x90: {  	s2 =	sld [smem:$0x3FC9]  }
0x91: {  	s18 =	sld [smem:$0x3FD0];
	(tm) =	ssettm $0x1  }
0x92: {  	s4 =	sld [smem:$0x3FFB];
	_ =	sdelay $0x3  }
0x93: {  	_ =	strace s4  }
0x94: {  	s4 =	sld [smem:$0x3FFC];
	_ =	sdelay $0x3  }
0x95: {  	_ =	strace s4  }
0x96: {  	s4 =	sld [smem:$0x3FFD];
	_ =	sdelay $0x3  }
0x97: {  	_ =	strace s4  }
0x98: {  	_ =	strace $0x8FFFFFFF  }
0x99: {  	s19 =	sld [smem:$0x3FDB];
	_ =	sdelay $0x1  }
0x9a: {  	s5 =	simm.s32 $_scs_section_size  }
0x9b: {  	s6 =	simm.s32 $_size__tile_overlayer_lowered;
	s7 =	simm.s32 $_tile_overlayer_lowered  }
0x9c: {  	s22 =	simm.s32 $0x1BFF;
	s21 =	sshll.u32 s7, $0x1;
	s4 =	sadd.s32 s5, s19  }
0x9d: {  	s8 =	simm.s32 $0x0;
	s20 =	sshll.u32 s6, $0x1;
	s6 =	sadd.s32 s21, s4  }
0x9e: {  	[timem:s8], [sflag:s22] =	dma.local [hbm:s6], s20  }
0x9f: {  	_ =	swait.ge [sflag:s22], s20  }
0xa0: {  	s5 =	ssub.s32 $0x0, s20;
	[sflag:s22] =	ssyncset.done $0x0  }
0xa1: {  	[sflag:s22] =	ssyncadd.s32 s5;
	_ =	sdelay $0x1  }
0xa2: {  	s23 =	simm.s32 $0x1B8B  }
0xa3: {  	_ =	swait.ge [sflag:s23], $0x1  }
0xa4: {  	[sflag:s23] =	ssyncset.done $0x0  }
0xa5: {  	s25 =	simm.s32 $0x1B8E;
	s24 =	sld [smem:$0x3FFE];
	[sflag:s23] =	ssyncadd.s32 $0xFFFFFFFF  }
0xa6: {  	s26 =	simm.s32 $execute0_lowered;
	[smem:$0x3FD2] =	sst s25  }
0xa7: {  	s6 =	sshll.u32 s26, $0x1;
	_ =	strace $0x80000046;
	[dreg:$0x1] =	wrdreg $0xFFFFFFFF  }
0xa8: {  	s28 =	simm.s32 $_size_execute0_lowered;
	s4 =	sadd.s32 s4, s6;
	[dreg:$0x0] =	wrdreg $0x0  }
0xa9: {  	s6 =	sshll.u32 s28, $0x1;
	[dreg:$0x2] =	wrdreg s4  }
0xaa: {  	[dreg:$0x3] =	wrdreg s6  }
0xab: {  	[dreg:$0x4] =	wrdreg $0xC0  }
0xac: {  	_ =	task [dreg:s8], $0x5FFFF  }
0xad: {  	[dreg:$0x1] =	wrdreg $0xFFFFFFFF  }
0xae: {  	[dreg:$0x0] =	wrdreg $0x60  }
0xaf: {  	[dreg:$0x2] =	wrdreg s2  }
0xb0: {  	[dreg:$0x3] =	wrdreg s24  }
0xb1: {  	[dreg:$0x4] =	wrdreg s18  }
0xb2: {  	[dreg:$0x5] =	wrdreg $0x9  }
0xb3: {  	_ =	task.clear_ibuf [dreg:s8], $0x6FFFF;
	_ =	strace $0x90000046  }
0xb4: {  	s29 =	simm.s32 $0x9;
	_ =	strace $0x80000048  }
0xb5: {  	_ =	swait.ge [sflag:s29], $0x1  }
0xb6: {  	[sflag:s29] =	ssyncadd.s32 $0xFFFFFFFF  }
0xb7: {  	_ =	strace $0x90000048  }
0xb8: {  	_ =	sfence  }
0xb9: {  	s30 =	sld [smem:$0x0];
	_ =	sdelay $0x2  }
0xba: {  	s31 =	sshll.u32 s1, $0xD;
	s1 =	sshrl.u32 s1, $0x2  }
0xbb: {  	s3 =	sand.u32 $0x4000, s31;
	s1 =	sadd.s32 s1, s30  }
0xbc: {  	s0 =	sor.u32 s3, s0;
	s1 =	sshll.u32 s1, $0x11  }
0xbd: {  	s0 =	sor.u32 s1, s0  }
0xbe: {  	s0 =	sadd.s32 $0x8F2B, s0  }
0xbf: {  	[sflag:s0] =	ssyncadd.remote.s32 $0x1  }
0xc0: {  	_ =	sfence.sel $0xFFFF  }
0xc1: {  	[dreg:$0x0] =	wrdreg $0xFFFFFFFF;
	(pc) =	sbr.abs _section_cstart, $3  }
0xc2: {  	[dreg:$0x1] =	wrdreg $0xFFFFFFFF  }
0xc3: {  	_ =	task.clear_ibuf [dreg:s8], $0x2FFFF;
	_ =	strace $0x9FFFFFFF  }
0xc4: {  	(tm) =	ssettm $0x7FFFFFFF  }
0xc5: {  	_ =	shalt  }
tec
execute0_lowered:
.L_overlay_start_1:
0x0: {  	(tag) =	ssettag $0x1  }
0x1: {  	s1 =	rddreg [dreg:$0x0]  }
0x2: {  	s2 =	srdreg.scid;
	s5 =	rddreg [dreg:$0x1]  }
0x3: {  	s6 =	rddreg [dreg:$0x2];
	s4 =	sand.u32 $0x1, s2;
	s2 =	simm.s32 $0x0  }
0x4: {  	s9 =	simm.s32 $0x80;
	[smem:$0x7FF] =	sst s2  }
0x5: {  	s10 =	simm.s32 $0x200;
	_ =	strace $0x80000047;
	[dreg:$0x7] =	wrdreg s9  }
0x6: {  	s11 =	simm.s32 $0x280;
	[dreg:$0x8] =	wrdreg s10  }
0x7: {  	s12 =	simm.s32 $0x300;
	[dreg:$0x9] =	wrdreg s11  }
0x8: {  	s13 =	simm.s32 $0x380;
	[dreg:$0xa] =	wrdreg s12  }
0x9: {  	s14 =	simm.s32 $0x400;
	[dreg:$0xb] =	wrdreg s13  }
0xa: {  	s15 =	simm.s32 $0x480;
	[dreg:$0xc] =	wrdreg s14  }
0xb: {  	s16 =	simm.s32 $0x500;
	[dreg:$0xd] =	wrdreg s15  }
0xc: {  	s17 =	simm.s32 $0x580;
	[dreg:$0xe] =	wrdreg s16  }
0xd: {  	s18 =	simm.s32 $0x600;
	[dreg:$0xf] =	wrdreg s17  }
0xe: {  	s19 =	simm.s32 $0x680;
	[dreg:$0x10] =	wrdreg s18  }
0xf: {  	s20 =	simm.s32 $0x700;
	[dreg:$0x11] =	wrdreg s19  }
0x10: {  	s21 =	simm.s32 $0x780;
	[dreg:$0x12] =	wrdreg s20  }
0x11: {  	s22 =	simm.s32 $0x800;
	[dreg:$0x13] =	wrdreg s21  }
0x12: {  	s23 =	simm.s32 $0x880;
	[dreg:$0x14] =	wrdreg s22  }
0x13: {  	s24 =	simm.s32 $0x900;
	[dreg:$0x15] =	wrdreg s23  }
0x14: {  	s25 =	simm.s32 $0x980;
	[dreg:$0x16] =	wrdreg s24  }
0x15: {  	s0 =	stileid.u32;
	s26 =	simm.s32 $0xA00;
	[dreg:$0x17] =	wrdreg s25  }
0x16: {  	s7 =	sshll.u32 s0, $0x1;
	s0 =	simm.s32 $0xA80;
	[dreg:$0x18] =	wrdreg s26  }
0x17: {  	[dreg:$0x19] =	wrdreg s0;
	s9 =	simm.s32 $0xC80  }
0x18: {  	s10 =	simm.s32 $0xD00;
	[dreg:$0x1d] =	wrdreg s9  }
0x19: {  	s11 =	simm.s32 $0xD80;
	[dreg:$0x1e] =	wrdreg s10  }
0x1a: {  	s12 =	simm.s32 $0xE00;
	[dreg:$0x1f] =	wrdreg s11  }
0x1b: {  	s13 =	simm.s32 $0xE80;
	[smem:$0x7AE] =	sst s12  }
0x1c: {  	s14 =	simm.s32 $0xF00;
	[smem:$0x7AF] =	sst s13  }
0x1d: {  	s15 =	simm.s32 $0xF80;
	[smem:$0x7B0] =	sst s14  }
0x1e: {  	s16 =	simm.s32 $0x1000;
	[smem:$0x7B1] =	sst s15  }
0x1f: {  	s17 =	simm.s32 $0x1080;
	[smem:$0x7B2] =	sst s16  }
0x20: {  	s18 =	simm.s32 $0x1100;
	[smem:$0x7B3] =	sst s17  }
0x21: {  	s19 =	simm.s32 $0x1180;
	[smem:$0x7B4] =	sst s18  }
0x22: {  	s20 =	simm.s32 $0x1200;
	[smem:$0x7B5] =	sst s19  }
0x23: {  	s21 =	simm.s32 $0x1280;
	[smem:$0x7B6] =	sst s20  }
0x24: {  	s22 =	simm.s32 $0x1300;
	[smem:$0x7B7] =	sst s21  }
0x25: {  	s23 =	simm.s32 $0x1380;
	[smem:$0x7B8] =	sst s22  }
0x26: {  	s24 =	simm.s32 $0x1400;
	[smem:$0x7B9] =	sst s23  }
0x27: {  	s25 =	simm.s32 $0x1480;
	[smem:$0x7BA] =	sst s24  }
0x28: {  	s26 =	simm.s32 $0x1500;
	[smem:$0x7BB] =	sst s25  }
0x29: {  	s0 =	simm.s32 $0x1580;
	[smem:$0x7BC] =	sst s26  }
0x2a: {  	[smem:$0x7BD] =	sst s0;
	s9 =	simm.s32 $0x1780  }
0x2b: {  	s10 =	simm.s32 $0x1800;
	[smem:$0x7C1] =	sst s9  }
0x2c: {  	s11 =	simm.s32 $0x1880;
	[smem:$0x7C2] =	sst s10  }
0x2d: {  	s12 =	simm.s32 $0x1900;
	[smem:$0x7C3] =	sst s11  }
0x2e: {  	s13 =	simm.s32 $0x1980;
	[smem:$0x7C4] =	sst s12  }
0x2f: {  	s14 =	simm.s32 $0x1A00;
	[smem:$0x7C5] =	sst s13  }
0x30: {  	s15 =	simm.s32 $0x1A80;
	[smem:$0x7C6] =	sst s14  }
0x31: {  	s16 =	simm.s32 $0x1B00;
	[smem:$0x7C7] =	sst s15  }
0x32: {  	s17 =	simm.s32 $0x1B80;
	[smem:$0x7C8] =	sst s16  }
0x33: {  	s18 =	simm.s32 $0x1C00;
	[smem:$0x7C9] =	sst s17  }
0x34: {  	s19 =	simm.s32 $0x1C80;
	[smem:$0x7CA] =	sst s18  }
0x35: {  	s20 =	simm.s32 $0x1D00;
	[smem:$0x7CB] =	sst s19  }
0x36: {  	s21 =	simm.s32 $0x1D80;
	[smem:$0x7CC] =	sst s20  }
0x37: {  	s22 =	simm.s32 $0x1E00;
	[smem:$0x7CD] =	sst s21  }
0x38: {  	s23 =	simm.s32 $0x1E80;
	[smem:$0x7CE] =	sst s22  }
0x39: {  	s24 =	simm.s32 $0x1F00;
	[smem:$0x7CF] =	sst s23  }
0x3a: {  	s3 =	sor.u32 s4, s7;
	s25 =	simm.s32 $0x1F80;
	[smem:$0x7D0] =	sst s24  }
0x3b: {  	s7 =	sshll.u32 s3, $0x4;
	s26 =	simm.s32 $0x2000;
	[smem:$0x7D1] =	sst s25  }
0x3c: {  	s5 =	sadd.s32 s7, s5;
	s0 =	simm.s32 $0x2080;
	[smem:$0x7D2] =	sst s26  }
0x3d: {  	s8 =	sadd.s32 $0x800, s5;
	[smem:$0x7D3] =	sst s0  }
0x3e: {  	s5 =	sadd.s32 $0x600, s5;
	[dreg:$0x4] =	wrdreg s8  }
0x3f: {  	s9 =	simm.s32 $0x2280;
	[dreg:$0x5] =	wrdreg s5  }
0x40: {  	s10 =	simm.s32 $0x2300;
	[smem:$0x7D7] =	sst s9  }
0x41: {  	s11 =	simm.s32 $0x2380;
	[smem:$0x7D8] =	sst s10  }
0x42: {  	s12 =	simm.s32 $0x2400;
	[smem:$0x7D9] =	sst s11  }
0x43: {  	s13 =	simm.s32 $0x2480;
	[smem:$0x7DA] =	sst s12  }
0x44: {  	s14 =	simm.s32 $0x2500;
	[smem:$0x7DB] =	sst s13  }
0x45: {  	s15 =	simm.s32 $0x2580;
	[smem:$0x7DC] =	sst s14  }
0x46: {  	s16 =	simm.s32 $0x2600;
	[smem:$0x7DD] =	sst s15  }
0x47: {  	s17 =	simm.s32 $0x2680;
	[smem:$0x7DE] =	sst s16  }
0x48: {  	s18 =	simm.s32 $0x2700;
	[smem:$0x7DF] =	sst s17  }
0x49: {  	s19 =	simm.s32 $0x2780;
	[smem:$0x7E0] =	sst s18  }
0x4a: {  	s20 =	simm.s32 $0x2800;
	[smem:$0x7E1] =	sst s19  }
0x4b: {  	s21 =	simm.s32 $0x2880;
	[smem:$0x7E2] =	sst s20  }
0x4c: {  	s22 =	simm.s32 $0x2900;
	[smem:$0x7E3] =	sst s21  }
0x4d: {  	s23 =	simm.s32 $0x2980;
	[smem:$0x7E4] =	sst s22  }
0x4e: {  	s24 =	simm.s32 $0x2A00;
	[smem:$0x7E5] =	sst s23  }
0x4f: {  	s25 =	simm.s32 $0x2A80;
	[smem:$0x7E6] =	sst s24  }
0x50: {  	s26 =	simm.s32 $0x2B00;
	[smem:$0x7E7] =	sst s25  }
0x51: {  	s0 =	simm.s32 $0x2B80;
	[smem:$0x7E8] =	sst s26  }
0x52: {  	s8 =	sadd.s32 s6, s7;
	[smem:$0x7E9] =	sst s0  }
0x53: {  	s6 =	simm.s32 $0xB00;
	[dreg:$0x6] =	wrdreg s8  }
0x54: {  	s7 =	simm.s32 $0xB80;
	[dreg:$0x1a] =	wrdreg s6  }
0x55: {  	s9 =	simm.s32 $0x2D80;
	[dreg:$0x1b] =	wrdreg s7  }
0x56: {  	s10 =	simm.s32 $0x2E00;
	[smem:$0x7ED] =	sst s9  }
0x57: {  	s11 =	simm.s32 $0x2E80;
	[smem:$0x7EE] =	sst s10  }
0x58: {  	s28 =	simm.s32 $0x4000;
	s12 =	simm.s32 $0x2F00;
	[smem:$0x7EF] =	sst s11  }
0x59: {  	s29 =	simm.s32 $0x4080;
	s13 =	simm.s32 $0x2F80;
	[smem:$0x7F0] =	sst s12  }
0x5a: {  	s30 =	simm.s32 $0x4100;
	s14 =	simm.s32 $0x3000;
	[smem:$0x7F1] =	sst s13  }
0x5b: {  	s31 =	simm.s32 $0x1;
	s15 =	simm.s32 $0x3080;
	[smem:$0x7F2] =	sst s14  }
0x5c: {  	s4 =	ssub.s32 $0x2, s4;
	s16 =	simm.s32 $0x3100;
	[smem:$0x7F3] =	sst s15  }
0x5d: {  	s3 =	sshll.u32 s3, $0x7;
	s17 =	simm.s32 $0x3180;
	[smem:$0x7F4] =	sst s16  }
0x5e: {  	s3 =	sadd.s32 s1, s3;
	s18 =	simm.s32 $0x3200;
	[smem:$0x7F5] =	sst s17  }
0x5f: {  	s1 =	simm.s32 $0x4180;
	s19 =	simm.s32 $0x3280;
	[smem:$0x7F6] =	sst s18  }
0x60: {  	s20 =	sshrl.u32 s4, $0x1;
	s21 =	simm.s32 $0x3300;
	[smem:$0x7F7] =	sst s19  }
0x61: {  	s22 =	simm.s32 $0x3380;
	s23 =	simm.s32 $0x3400;
	[smem:$0x7F8] =	sst s21  }
0x62: {  	s24 =	simm.s32 $0x3480;
	s25 =	simm.s32 $0x3500;
	[smem:$0x7F9] =	sst s22  }
0x63: {  	s5 =	simm.s32 $0x2;
	s26 =	simm.s32 $0x3580;
	[smem:$0x7FA] =	sst s23  }
0x64: {  	s8 =	simm.s32 $0xC00;
	s6 =	simm.s32 $0x1600;
	[smem:$0x7FB] =	sst s24  }
0x65: {  	s7 =	simm.s32 $0x1680;
	s4 =	ssub.s32 s4, s20;
	[smem:$0x7FC] =	sst s25  }
0x66: {  	[smem:$0x7FD] =	sst s26;
	s9 =	simm.s32 $0x3700;
	s10 =	simm.s32 $0x3780  }
0x67: {  	s11 =	simm.s32 $0x3800;
	s12 =	simm.s32 $0x3880;
	s13 =	simm.s32 $0x3900  }
0x68: {  	s14 =	simm.s32 $0x3980;
	s15 =	simm.s32 $0x3A00;
	s16 =	simm.s32 $0x3A80  }
0x69: {  	s17 =	simm.s32 $0x3B00;
	s18 =	simm.s32 $0x3B80;
	[dreg:$0x1c] =	wrdreg s8  }
0x6a: {  	v0 =	vimm.s32 $0x7;
	v1 =	vimm.s32 $0x5;
	v12 =	vlaneseq.u32;
	s19 =	simm.s32 $0x3C00;
	s20 =	simm.s32 $0x3C80;
	[smem:$0x7BE] =	sst s6  }
0x6b: {  	v2 =	vimm.s32 $0x0;
	vm0 =	vmmov $0x1;
	v4 =	vimm.s32 $0x1;
	s21 =	simm.s32 $0x3D00;
	[smem:$0x7BF] =	sst s7;
	s8 =	simm.s32 $0x1700  }
0x6c: {  	v5 =	vimm.s32 $0x2;
	v6 =	vimm.s32 $0x3;
	v7 =	vimm.s32 $0x4;
	s22 =	simm.s32 $0x3D80;
	s6 =	simm.s32 $0x2100;
	[smem:$0x7C0] =	sst s8  }
0x6d: {  	v8 =	vimm.s32 $0x6;
	v9 =	vimm.s32 $0x8;
	v10 =	vimm.s32 $0x9;
	s23 =	simm.s32 $0x3E00;
	s7 =	simm.s32 $0x2180;
	[smem:$0x7D4] =	sst s6  }
0x6e: {  	v11 =	vimm.s32 $0xA;
	v3 =	vmul.u32 $0x8, v12;
	v12 =	vmul.u32 $0x81, v12;
	s24 =	simm.s32 $0x3E80;
	[smem:$0x7D5] =	sst s7;
	s8 =	simm.s32 $0x2200  }
0x6f: {  	v13 =	vimm.s32 $0xB;
	v14 =	vimm.s32 $0xC;
	v15 =	vimm.s32 $0xD;
	s25 =	simm.s32 $0x3F00;
	s6 =	simm.s32 $0x2C00;
	[smem:$0x7D6] =	sst s8  }
0x70: {  	v16 =	vimm.s32 $0xE;
	v17 =	vimm.s32 $0xF;
	v18 =	vadd.s32 $0x810, v12;
	s26 =	simm.s32 $0x3F80;
	s7 =	simm.s32 $0x2C80;
	[smem:$0x7EA] =	sst s6  }
0x71: {  	v19 =	vadd.s32 $0x1020, v12;
	v20 =	vadd.s32 $0x1830, v12;
	v21 =	vadd.s32 $0x2040, v12;
	s4 =	smax.u32 s4, $0x1;
	[smem:$0x7EB] =	sst s7;
	s8 =	simm.s32 $0x2D00  }
0x72: {  	v22 =	vadd.s32 $0x2850, v12;
	v23 =	vadd.s32 $0x3060, v12;
	v24 =	vadd.s32 $0x3870, v12;
	s6 =	simm.s32 $0x180;
	[smem:$0x7EC] =	sst s8;
	s8 =	simm.s32 $0x3680  }
.LBB2_1:
0x73: {  	s0 =	rddreg [dreg:$0x4]  }
0x74: {  	[tilespmem:s2], [sflag:$0x2] =	stream.linear.gather [hbm4b:s0+s2], $0x80, $0x38;
	[tilespmem:$0x4200] =	vst v63  }
0x75: {  	_ =	swait.ge [sflag:s5], $0x80  }
0x76: {  	s0 =	rddreg [dreg:$0x5];
	[sflag:s5] =	ssyncset.done $0x0  }
0x77: {  	s7 =	rddreg [dreg:$0x7];
	[sflag:s5] =	ssyncadd.s32 $0xFFFFFF80  }
0x78: {  	[tilespmem:s7], [sflag:$0x2] =	stream.linear.gather [hbm4b:s0+s2], $0x80, $0x38;
	[tilespmem:$0x4200] =	vst v63  }
0x79: {  	_ =	swait.ge [sflag:s5], $0x80  }
0x7a: {  	[sflag:s5] =	ssyncset.done $0x0  }
0x7b: {  	[sflag:s5] =	ssyncadd.s32 $0xFFFFFF80  }
0x7c: {  	v25 =	vld [tilespmem:$0x80]  }
0x7d: {  	v26 =	vld [tilespmem:$0x0]  }
0x7e: {  	v27 =	vld [tilespmem:$0x90]  }
0x7f: {  	v28 =	vld [tilespmem:$0x10]  }
0x80: {  	v29 =	vld [tilespmem:$0xA0]  }
0x81: {  	v30 =	vld [tilespmem:$0x20]  }
0x82: {  	v31 =	vld [tilespmem:$0xB0]  }
0x83: {  	v32 =	vld [tilespmem:$0x30]  }
0x84: {  	v33 =	vld [tilespmem:$0xC0]  }
0x85: {  	v34 =	vld [tilespmem:$0x40];
	v25 =	vmul.u32 $0xE0, v25  }
0x86: {  	v35 =	vld [tilespmem:$0xD0]  }
0x87: {  	v36 =	vld [tilespmem:$0x50];
	v25 =	vadd.s32 v26, v25  }
0x88: {  	v47 =	vld [tilespmem:$0xE0];
	v27 =	vmul.u32 $0xE0, v27;
	v29 =	vmul.u32 $0xE0, v29;
	v37 =	vshll.u32 v25, $0x5  }
0x89: {  	v38 =	vld [tilespmem:$0xF0];
	v48 =	vmul.u32 $0xE0, v33;
	v26 =	vand.u32 $0x7, v26;
	v37 =	vand.u32 $0xFFFFFF00, v37  }
0x8a: {  	v49 =	vld [tilespmem:$0x60];
	v27 =	vadd.s32 v28, v27;
	[tilespmem:$0x100] =	vst v25;
	v25 =	vmul.u32 $0xE0, v31;
	v26 =	vor.u32 v26, v37  }
0x8b: {  	v50 =	vld [tilespmem:$0x70];
	[tilespmem:$0x110] =	vst v27;
	v27 =	vadd.s32 v30, v29;
	v51 =	vperm.xlane v26, v2  }
0x8c: {  	v52 =	vmul.u32 $0xE0, v35;
	[tilespmem:$0x120] =	vst v27;
	v27 =	vadd.s32 v34, v48;
	v25 =	vadd.s32 v32, v25  }
0x8d: {  	[tilespmem:$0x130] =	vst v25;
	v25 =	vmul.u32 $0xE0, v47;
	v54 =	vperm.xlane v26, v4;
	v53 =	vadd.s32 v3, v51  }
0x8e: {  	v55 =	vmul.u32 $0xE0, v38;
	[tilespmem:$0x140] =	vst v27;
	v27 =	vadd.s32 v36, v52  }
0x8f: {  	[tilespmem:$0x150] =	vst v27;
	v56 =	vperm.xlane v26, v5;
	v25 =	vadd.s32 v49, v25;
	v27 =	vadd.s32 v3, v54  }
0x90: {  	[tilespmem:$0x160] =	vst v25;
	v25 =	vadd.s32 v50, v55  }
0x91: {  	v57 =	vperm.xlane v26, v6;
	[tilespmem:$0x170] =	vst v25;
	v25 =	vadd.s32 v3, v56  }
0x92: {  	[tilespmem:s6], [sflag:$0x1] =	stream.indirect_vreg.gather [hbm4b:s3+s2], $0x80, v53, vm0, $0xb8;
	[tilespmem:$0x4200] =	vst v63  }
0x93: {  	s0 =	rddreg [dreg:$0x8];
	v59 =	vperm.xlane v26, v7;
	v58 =	vadd.s32 v3, v57  }
0x94: {  	[tilespmem:s0], [sflag:$0x1] =	stream.indirect_vreg.gather [hbm4b:s3+s2], $0x80, v27, vm0, $0xb8;
	[tilespmem:$0x4200] =	vst v63  }
0x95: {  	s7 =	rddreg [dreg:$0x9];
	v60 =	vperm.xlane v26, v1;
	v27 =	vadd.s32 v3, v59  }
0x96: {  	[tilespmem:s7], [sflag:$0x1] =	stream.indirect_vreg.gather [hbm4b:s3+s2], $0x80, v25, vm0, $0xb8;
	[tilespmem:$0x4200] =	vst v63  }
0x97: {  	v61 =	vperm.xlane v26, v8;
	s0 =	rddreg [dreg:$0xa];
	v25 =	vadd.s32 v3, v60  }
0x98: {  	[tilespmem:s0], [sflag:$0x1] =	stream.indirect_vreg.gather [hbm4b:s3+s2], $0x80, v58, vm0, $0xb8;
	[tilespmem:$0x4200] =	vst v63  }
0x99: {  	v63 =	vperm.xlane v26, v0;
	v62 =	vadd.s32 v3, v61;
	s7 =	rddreg [dreg:$0xb]  }
0x9a: {  	[tilespmem:s7], [sflag:$0x1] =	stream.indirect_vreg.gather [hbm4b:s3+s2], $0x80, v27, vm0, $0xb8;
	[tilespmem:$0x4200] =	vst v63  }
0x9b: {  	v32 =	vperm.xlane v26, v9;
	s0 =	rddreg [dreg:$0xc];
	v27 =	vadd.s32 v3, v63  }
0x9c: {  	[tilespmem:s0], [sflag:$0x1] =	stream.indirect_vreg.gather [hbm4b:s3+s2], $0x80, v25, vm0, $0xb8;
	[tilespmem:$0x4200] =	vst v63  }
0x9d: {  	v33 =	vperm.xlane v26, v10;
	s7 =	rddreg [dreg:$0xd];
	v25 =	vadd.s32 v3, v32  }
0x9e: {  	[tilespmem:s7], [sflag:$0x1] =	stream.indirect_vreg.gather [hbm4b:s3+s2], $0x80, v62, vm0, $0xb8;
	[tilespmem:$0x4200] =	vst v63  }
0x9f: {  	v35 =	vperm.xlane v26, v11;
	v34 =	vadd.s32 v3, v33;
	s0 =	rddreg [dreg:$0xe]  }
0xa0: {  	[tilespmem:s0], [sflag:$0x1] =	stream.indirect_vreg.gather [hbm4b:s3+s2], $0x80, v27, vm0, $0xb8;
	[tilespmem:$0x4200] =	vst v63  }
0xa1: {  	v36 =	vperm.xlane v26, v13;
	s7 =	rddreg [dreg:$0xf];
	v27 =	vadd.s32 v3, v35  }
0xa2: {  	[tilespmem:s7], [sflag:$0x1] =	stream.indirect_vreg.gather [hbm4b:s3+s2], $0x80, v25, vm0, $0xb8;
	[tilespmem:$0x4200] =	vst v63  }
0xa3: {  	v37 =	vperm.xlane v26, v14;
	s0 =	rddreg [dreg:$0x10];
	v25 =	vadd.s32 v3, v36  }
0xa4: {  	[tilespmem:s0], [sflag:$0x1] =	stream.indirect_vreg.gather [hbm4b:s3+s2], $0x80, v34, vm0, $0xb8;
	[tilespmem:$0x4200] =	vst v63  }
0xa5: {  	v39 =	vperm.xlane v26, v15;
	v38 =	vadd.s32 v3, v37;
	s7 =	rddreg [dreg:$0x11]  }
0xa6: {  	[tilespmem:s7], [sflag:$0x1] =	stream.indirect_vreg.gather [hbm4b:s3+s2], $0x80, v27, vm0, $0xb8;
	[tilespmem:$0x4200] =	vst v63  }
0xa7: {  	v40 =	vperm.xlane v26, v16;
	s0 =	rddreg [dreg:$0x12];
	v27 =	vadd.s32 v3, v39  }
0xa8: {  	[tilespmem:s0], [sflag:$0x1] =	stream.indirect_vreg.gather [hbm4b:s3+s2], $0x80, v25, vm0, $0xb8;
	[tilespmem:$0x4200] =	vst v63  }
0xa9: {  	v26 =	vperm.xlane v26, v17;
	s7 =	rddreg [dreg:$0x13];
	v25 =	vadd.s32 v3, v40  }
0xaa: {  	[tilespmem:s7], [sflag:$0x1] =	stream.indirect_vreg.gather [hbm4b:s3+s2], $0x80, v38, vm0, $0xb8;
	[tilespmem:$0x4200] =	vst v63  }
0xab: {  	v26 =	vadd.s32 v3, v26;
	s0 =	rddreg [dreg:$0x14]  }
0xac: {  	[tilespmem:s0], [sflag:$0x1] =	stream.indirect_vreg.gather [hbm4b:s3+s2], $0x80, v27, vm0, $0xb8;
	[tilespmem:$0x4200] =	vst v63  }
0xad: {  	s7 =	rddreg [dreg:$0x15]  }
0xae: {  	[tilespmem:s7], [sflag:$0x1] =	stream.indirect_vreg.gather [hbm4b:s3+s2], $0x80, v25, vm0, $0xb8;
	[tilespmem:$0x4200] =	vst v63  }
0xaf: {  	s0 =	rddreg [dreg:$0x16]  }
0xb0: {  	[tilespmem:s0], [sflag:$0x1] =	stream.indirect_vreg.gather [hbm4b:s3+s2], $0x80, v26, vm0, $0xb8;
	[tilespmem:$0x4200] =	vst v63  }
0xb1: {  	v25 =	vld [tilespmem:$0x110];
	_ =	sdelay $0x4  }
0xb2: {  	v26 =	vshll.u32 v25, $0x5  }
0xb3: {  	v25 =	vand.u32 $0x7, v25;
	v26 =	vand.u32 $0xFFFFFF00, v26  }
0xb4: {  	v25 =	vor.u32 v25, v26  }
0xb5: {  	v26 =	vperm.xlane v25, v2;
	_ =	sdelay $0x1  }
0xb6: {  	v27 =	vperm.xlane v25, v4;
	v26 =	vadd.s32 v3, v26;
	_ =	sdelay $0x1  }
0xb7: {  	v41 =	vperm.xlane v25, v5;
	v27 =	vadd.s32 v3, v27  }
0xb8: {  	s7 =	rddreg [dreg:$0x18]  }
0xb9: {  	s0 =	rddreg [dreg:$0x17];
	v42 =	vperm.xlane v25, v6;
	v28 =	vadd.s32 v3, v41  }
0xba: {  	[tilespmem:s0], [sflag:$0x1] =	stream.indirect_vreg.gather [hbm4b:s3+s2], $0x80, v26, vm0, $0xb8;
	[tilespmem:$0x4200] =	vst v63  }
0xbb: {  	v43 =	vperm.xlane v25, v7;
	s0 =	rddreg [dreg:$0x19];
	v26 =	vadd.s32 v3, v42  }
0xbc: {  	[tilespmem:s7], [sflag:$0x1] =	stream.indirect_vreg.gather [hbm4b:s3+s2], $0x80, v27, vm0, $0xb8;
	[tilespmem:$0x4200] =	vst v63  }
0xbd: {  	v44 =	vperm.xlane v25, v1;
	s7 =	rddreg [dreg:$0x1a];
	v27 =	vadd.s32 v3, v43  }
0xbe: {  	[tilespmem:s0], [sflag:$0x1] =	stream.indirect_vreg.gather [hbm4b:s3+s2], $0x80, v28, vm0, $0xb8;
	[tilespmem:$0x4200] =	vst v63  }
0xbf: {  	v46 =	vperm.xlane v25, v8;
	v45 =	vadd.s32 v3, v44;
	s0 =	rddreg [dreg:$0x1b]  }
0xc0: {  	[tilespmem:s7], [sflag:$0x1] =	stream.indirect_vreg.gather [hbm4b:s3+s2], $0x80, v26, vm0, $0xb8;
	[tilespmem:$0x4200] =	vst v63  }
0xc1: {  	v47 =	vperm.xlane v25, v0;
	s7 =	rddreg [dreg:$0x1c];
	v26 =	vadd.s32 v3, v46  }
0xc2: {  	[tilespmem:s0], [sflag:$0x1] =	stream.indirect_vreg.gather [hbm4b:s3+s2], $0x80, v27, vm0, $0xb8;
	[tilespmem:$0x4200] =	vst v63  }
0xc3: {  	v48 =	vperm.xlane v25, v9;
	s0 =	rddreg [dreg:$0x1d];
	v27 =	vadd.s32 v3, v47  }
0xc4: {  	[tilespmem:s7], [sflag:$0x1] =	stream.indirect_vreg.gather [hbm4b:s3+s2], $0x80, v45, vm0, $0xb8;
	[tilespmem:$0x4200] =	vst v63  }
0xc5: {  	v50 =	vperm.xlane v25, v10;
	v49 =	vadd.s32 v3, v48;
	s7 =	rddreg [dreg:$0x1e]  }
0xc6: {  	[tilespmem:s0], [sflag:$0x1] =	stream.indirect_vreg.gather [hbm4b:s3+s2], $0x80, v26, vm0, $0xb8;
	[tilespmem:$0x4200] =	vst v63  }
0xc7: {  	v51 =	vperm.xlane v25, v11;
	s0 =	rddreg [dreg:$0x1f];
	v26 =	vadd.s32 v3, v50  }
0xc8: {  	[tilespmem:s7], [sflag:$0x1] =	stream.indirect_vreg.gather [hbm4b:s3+s2], $0x80, v27, vm0, $0xb8;
	[tilespmem:$0x4200] =	vst v63  }
0xc9: {  	v52 =	vperm.xlane v25, v13;
	s7 =	sld [smem:$0x7AE];
	v27 =	vadd.s32 v3, v51  }
0xca: {  	[tilespmem:s0], [sflag:$0x1] =	stream.indirect_vreg.gather [hbm4b:s3+s2], $0x80, v49, vm0, $0xb8;
	[tilespmem:$0x4200] =	vst v63  }
0xcb: {  	v54 =	vperm.xlane v25, v14;
	v53 =	vadd.s32 v3, v52;
	s0 =	sld [smem:$0x7AF]  }
0xcc: {  	[tilespmem:s7], [sflag:$0x1] =	stream.indirect_vreg.gather [hbm4b:s3+s2], $0x80, v26, vm0, $0xb8;
	[tilespmem:$0x4200] =	vst v63  }
0xcd: {  	v55 =	vperm.xlane v25, v15;
	s7 =	sld [smem:$0x7B0];
	v26 =	vadd.s32 v3, v54  }
0xce: {  	[tilespmem:s0], [sflag:$0x1] =	stream.indirect_vreg.gather [hbm4b:s3+s2], $0x80, v27, vm0, $0xb8;
	[tilespmem:$0x4200] =	vst v63  }
0xcf: {  	v56 =	vperm.xlane v25, v16;
	s0 =	sld [smem:$0x7B1];
	v27 =	vadd.s32 v3, v55  }
0xd0: {  	[tilespmem:s7], [sflag:$0x1] =	stream.indirect_vreg.gather [hbm4b:s3+s2], $0x80, v53, vm0, $0xb8;
	[tilespmem:$0x4200] =	vst v63  }
0xd1: {  	v25 =	vperm.xlane v25, v17;
	v57 =	vadd.s32 v3, v56;
	s7 =	sld [smem:$0x7B2]  }
0xd2: {  	[tilespmem:s0], [sflag:$0x1] =	stream.indirect_vreg.gather [hbm4b:s3+s2], $0x80, v26, vm0, $0xb8;
	[tilespmem:$0x4200] =	vst v63  }
0xd3: {  	v25 =	vadd.s32 v3, v25;
	s0 =	sld [smem:$0x7B3]  }
0xd4: {  	[tilespmem:s7], [sflag:$0x1] =	stream.indirect_vreg.gather [hbm4b:s3+s2], $0x80, v27, vm0, $0xb8;
	[tilespmem:$0x4200] =	vst v63  }
0xd5: {  	s7 =	sld [smem:$0x7B4]  }
0xd6: {  	[tilespmem:s0], [sflag:$0x1] =	stream.indirect_vreg.gather [hbm4b:s3+s2], $0x80, v57, vm0, $0xb8;
	[tilespmem:$0x4200] =	vst v63  }
0xd7: {  	_ = 	snop  }
0xd8: {  	[tilespmem:s7], [sflag:$0x1] =	stream.indirect_vreg.gather [hbm4b:s3+s2], $0x80, v25, vm0, $0xb8;
	[tilespmem:$0x4200] =	vst v63  }
0xd9: {  	v25 =	vld [tilespmem:$0x120];
	_ =	sdelay $0x4  }
0xda: {  	v26 =	vshll.u32 v25, $0x5  }
0xdb: {  	v25 =	vand.u32 $0x7, v25;
	v26 =	vand.u32 $0xFFFFFF00, v26  }
0xdc: {  	v25 =	vor.u32 v25, v26  }
0xdd: {  	v26 =	vperm.xlane v25, v2;
	_ =	sdelay $0x1  }
0xde: {  	v27 =	vperm.xlane v25, v4;
	v26 =	vadd.s32 v3, v26;
	_ =	sdelay $0x1  }
0xdf: {  	s0 =	sld [smem:$0x7B5];
	v58 =	vperm.xlane v25, v5;
	v27 =	vadd.s32 v3, v27;
	_ =	sdelay $0x1  }
0xe0: {  	s7 =	sld [smem:$0x7B6];
	v59 =	vperm.xlane v25, v6;
	v28 =	vadd.s32 v3, v58  }
0xe1: {  	[tilespmem:s0], [sflag:$0x1] =	stream.indirect_vreg.gather [hbm4b:s3+s2], $0x80, v26, vm0, $0xb8;
	[tilespmem:$0x4200] =	vst v63  }
0xe2: {  	v60 =	vperm.xlane v25, v7;
	s0 =	sld [smem:$0x7B7];
	v26 =	vadd.s32 v3, v59  }
0xe3: {  	[tilespmem:s7], [sflag:$0x1] =	stream.indirect_vreg.gather [hbm4b:s3+s2], $0x80, v27, vm0, $0xb8;
	[tilespmem:$0x4200] =	vst v63  }
0xe4: {  	v61 =	vperm.xlane v25, v1;
	s7 =	sld [smem:$0x7B8];
	v27 =	vadd.s32 v3, v60  }
0xe5: {  	[tilespmem:s0], [sflag:$0x1] =	stream.indirect_vreg.gather [hbm4b:s3+s2], $0x80, v28, vm0, $0xb8;
	[tilespmem:$0x4200] =	vst v63  }
0xe6: {  	v63 =	vperm.xlane v25, v8;
	v62 =	vadd.s32 v3, v61;
	s0 =	sld [smem:$0x7B9]  }
0xe7: {  	[tilespmem:s7], [sflag:$0x1] =	stream.indirect_vreg.gather [hbm4b:s3+s2], $0x80, v26, vm0, $0xb8;
	[tilespmem:$0x4200] =	vst v63  }
0xe8: {  	v32 =	vperm.xlane v25, v0;
	s7 =	sld [smem:$0x7BA];
	v26 =	vadd.s32 v3, v63  }
0xe9: {  	[tilespmem:s0], [sflag:$0x1] =	stream.indirect_vreg.gather [hbm4b:s3+s2], $0x80, v27, vm0, $0xb8;
	[tilespmem:$0x4200] =	vst v63  }
0xea: {  	v33 =	vperm.xlane v25, v9;
	s0 =	sld [smem:$0x7BB];
	v27 =	vadd.s32 v3, v32  }
0xeb: {  	[tilespmem:s7], [sflag:$0x1] =	stream.indirect_vreg.gather [hbm4b:s3+s2], $0x80, v62, vm0, $0xb8;
	[tilespmem:$0x4200] =	vst v63  }
0xec: {  	v35 =	vperm.xlane v25, v10;
	v34 =	vadd.s32 v3, v33;
	s7 =	sld [smem:$0x7BC]  }
0xed: {  	[tilespmem:s0], [sflag:$0x1] =	stream.indirect_vreg.gather [hbm4b:s3+s2], $0x80, v26, vm0, $0xb8;
	[tilespmem:$0x4200] =	vst v63  }
0xee: {  	v36 =	vperm.xlane v25, v11;
	s0 =	sld [smem:$0x7BD];
	v26 =	vadd.s32 v3, v35  }
0xef: {  	[tilespmem:s7], [sflag:$0x1] =	stream.indirect_vreg.gather [hbm4b:s3+s2], $0x80, v27, vm0, $0xb8;
	[tilespmem:$0x4200] =	vst v63  }
0xf0: {  	v37 =	vperm.xlane v25, v13;
	s7 =	sld [smem:$0x7BE];
	v27 =	vadd.s32 v3, v36  }
0xf1: {  	[tilespmem:s0], [sflag:$0x1] =	stream.indirect_vreg.gather [hbm4b:s3+s2], $0x80, v34, vm0, $0xb8;
	[tilespmem:$0x4200] =	vst v63  }
0xf2: {  	v39 =	vperm.xlane v25, v14;
	v38 =	vadd.s32 v3, v37;
	s0 =	sld [smem:$0x7BF]  }
0xf3: {  	[tilespmem:s7], [sflag:$0x1] =	stream.indirect_vreg.gather [hbm4b:s3+s2], $0x80, v26, vm0, $0xb8;
	[tilespmem:$0x4200] =	vst v63  }
0xf4: {  	v40 =	vperm.xlane v25, v15;
	s7 =	sld [smem:$0x7C0];
	v26 =	vadd.s32 v3, v39  }
0xf5: {  	[tilespmem:s0], [sflag:$0x1] =	stream.indirect_vreg.gather [hbm4b:s3+s2], $0x80, v27, vm0, $0xb8;
	[tilespmem:$0x4200] =	vst v63  }
0xf6: {  	v41 =	vperm.xlane v25, v16;
	s0 =	sld [smem:$0x7C1];
	v27 =	vadd.s32 v3, v40  }
0xf7: {  	[tilespmem:s7], [sflag:$0x1] =	stream.indirect_vreg.gather [hbm4b:s3+s2], $0x80, v38, vm0, $0xb8;
	[tilespmem:$0x4200] =	vst v63  }
0xf8: {  	v25 =	vperm.xlane v25, v17;
	v42 =	vadd.s32 v3, v41;
	s7 =	sld [smem:$0x7C2]  }
0xf9: {  	[tilespmem:s0], [sflag:$0x1] =	stream.indirect_vreg.gather [hbm4b:s3+s2], $0x80, v26, vm0, $0xb8;
	[tilespmem:$0x4200] =	vst v63  }
0xfa: {  	v25 =	vadd.s32 v3, v25;
	s0 =	sld [smem:$0x7C3]  }
0xfb: {  	[tilespmem:s7], [sflag:$0x1] =	stream.indirect_vreg.gather [hbm4b:s3+s2], $0x80, v27, vm0, $0xb8;
	[tilespmem:$0x4200] =	vst v63  }
0xfc: {  	s7 =	sld [smem:$0x7C4]  }
0xfd: {  	[tilespmem:s0], [sflag:$0x1] =	stream.indirect_vreg.gather [hbm4b:s3+s2], $0x80, v42, vm0, $0xb8;
	[tilespmem:$0x4200] =	vst v63  }
0xfe: {  	_ = 	snop  }
0xff: {  	[tilespmem:s7], [sflag:$0x1] =	stream.indirect_vreg.gather [hbm4b:s3+s2], $0x80, v25, vm0, $0xb8;
	[tilespmem:$0x4200] =	vst v63  }
0x100: {  	v25 =	vld [tilespmem:$0x130];
	_ =	sdelay $0x4  }
0x101: {  	v26 =	vshll.u32 v25, $0x5  }
0x102: {  	v25 =	vand.u32 $0x7, v25;
	v26 =	vand.u32 $0xFFFFFF00, v26  }
0x103: {  	v25 =	vor.u32 v25, v26  }
0x104: {  	v26 =	vperm.xlane v25, v2;
	_ =	sdelay $0x1  }
0x105: {  	v27 =	vperm.xlane v25, v4;
	v26 =	vadd.s32 v3, v26;
	_ =	sdelay $0x1  }
0x106: {  	s0 =	sld [smem:$0x7C5];
	v43 =	vperm.xlane v25, v5;
	v27 =	vadd.s32 v3, v27;
	_ =	sdelay $0x1  }
0x107: {  	s7 =	sld [smem:$0x7C6];
	v44 =	vperm.xlane v25, v6;
	v28 =	vadd.s32 v3, v43  }
0x108: {  	[tilespmem:s0], [sflag:$0x1] =	stream.indirect_vreg.gather [hbm4b:s3+s2], $0x80, v26, vm0, $0xb8;
	[tilespmem:$0x4200] =	vst v63  }
0x109: {  	v45 =	vperm.xlane v25, v7;
	s0 =	sld [smem:$0x7C7];
	v26 =	vadd.s32 v3, v44  }
0x10a: {  	[tilespmem:s7], [sflag:$0x1] =	stream.indirect_vreg.gather [hbm4b:s3+s2], $0x80, v27, vm0, $0xb8;
	[tilespmem:$0x4200] =	vst v63  }
0x10b: {  	v46 =	vperm.xlane v25, v1;
	s7 =	sld [smem:$0x7C8];
	v27 =	vadd.s32 v3, v45  }
0x10c: {  	[tilespmem:s0], [sflag:$0x1] =	stream.indirect_vreg.gather [hbm4b:s3+s2], $0x80, v28, vm0, $0xb8;
	[tilespmem:$0x4200] =	vst v63  }
0x10d: {  	v48 =	vperm.xlane v25, v8;
	v47 =	vadd.s32 v3, v46;
	s0 =	sld [smem:$0x7C9]  }
0x10e: {  	[tilespmem:s7], [sflag:$0x1] =	stream.indirect_vreg.gather [hbm4b:s3+s2], $0x80, v26, vm0, $0xb8;
	[tilespmem:$0x4200] =	vst v63  }
0x10f: {  	v49 =	vperm.xlane v25, v0;
	s7 =	sld [smem:$0x7CA];
	v26 =	vadd.s32 v3, v48  }
0x110: {  	[tilespmem:s0], [sflag:$0x1] =	stream.indirect_vreg.gather [hbm4b:s3+s2], $0x80, v27, vm0, $0xb8;
	[tilespmem:$0x4200] =	vst v63  }
0x111: {  	v50 =	vperm.xlane v25, v9;
	s0 =	sld [smem:$0x7CB];
	v27 =	vadd.s32 v3, v49  }
0x112: {  	[tilespmem:s7], [sflag:$0x1] =	stream.indirect_vreg.gather [hbm4b:s3+s2], $0x80, v47, vm0, $0xb8;
	[tilespmem:$0x4200] =	vst v63  }
0x113: {  	v52 =	vperm.xlane v25, v10;
	v51 =	vadd.s32 v3, v50;
	s7 =	sld [smem:$0x7CC]  }
0x114: {  	[tilespmem:s0], [sflag:$0x1] =	stream.indirect_vreg.gather [hbm4b:s3+s2], $0x80, v26, vm0, $0xb8;
	[tilespmem:$0x4200] =	vst v63  }
0x115: {  	v53 =	vperm.xlane v25, v11;
	s0 =	sld [smem:$0x7CD];
	v26 =	vadd.s32 v3, v52  }
0x116: {  	[tilespmem:s7], [sflag:$0x1] =	stream.indirect_vreg.gather [hbm4b:s3+s2], $0x80, v27, vm0, $0xb8;
	[tilespmem:$0x4200] =	vst v63  }
0x117: {  	v54 =	vperm.xlane v25, v13;
	s7 =	sld [smem:$0x7CE];
	v27 =	vadd.s32 v3, v53  }
0x118: {  	[tilespmem:s0], [sflag:$0x1] =	stream.indirect_vreg.gather [hbm4b:s3+s2], $0x80, v51, vm0, $0xb8;
	[tilespmem:$0x4200] =	vst v63  }
0x119: {  	v56 =	vperm.xlane v25, v14;
	v55 =	vadd.s32 v3, v54;
	s0 =	sld [smem:$0x7CF]  }
0x11a: {  	[tilespmem:s7], [sflag:$0x1] =	stream.indirect_vreg.gather [hbm4b:s3+s2], $0x80, v26, vm0, $0xb8;
	[tilespmem:$0x4200] =	vst v63  }
0x11b: {  	v57 =	vperm.xlane v25, v15;
	s7 =	sld [smem:$0x7D0];
	v26 =	vadd.s32 v3, v56  }
0x11c: {  	[tilespmem:s0], [sflag:$0x1] =	stream.indirect_vreg.gather [hbm4b:s3+s2], $0x80, v27, vm0, $0xb8;
	[tilespmem:$0x4200] =	vst v63  }
0x11d: {  	v58 =	vperm.xlane v25, v16;
	s0 =	sld [smem:$0x7D1];
	v27 =	vadd.s32 v3, v57  }
0x11e: {  	[tilespmem:s7], [sflag:$0x1] =	stream.indirect_vreg.gather [hbm4b:s3+s2], $0x80, v55, vm0, $0xb8;
	[tilespmem:$0x4200] =	vst v63  }
0x11f: {  	v25 =	vperm.xlane v25, v17;
	v59 =	vadd.s32 v3, v58;
	s7 =	sld [smem:$0x7D2]  }
0x120: {  	[tilespmem:s0], [sflag:$0x1] =	stream.indirect_vreg.gather [hbm4b:s3+s2], $0x80, v26, vm0, $0xb8;
	[tilespmem:$0x4200] =	vst v63  }
0x121: {  	v25 =	vadd.s32 v3, v25;
	s0 =	sld [smem:$0x7D3]  }
0x122: {  	[tilespmem:s7], [sflag:$0x1] =	stream.indirect_vreg.gather [hbm4b:s3+s2], $0x80, v27, vm0, $0xb8;
	[tilespmem:$0x4200] =	vst v63  }
0x123: {  	s7 =	sld [smem:$0x7D4]  }
0x124: {  	[tilespmem:s0], [sflag:$0x1] =	stream.indirect_vreg.gather [hbm4b:s3+s2], $0x80, v59, vm0, $0xb8;
	[tilespmem:$0x4200] =	vst v63  }
0x125: {  	_ = 	snop  }
0x126: {  	[tilespmem:s7], [sflag:$0x1] =	stream.indirect_vreg.gather [hbm4b:s3+s2], $0x80, v25, vm0, $0xb8;
	[tilespmem:$0x4200] =	vst v63  }
0x127: {  	v25 =	vld [tilespmem:$0x140];
	_ =	sdelay $0x4  }
0x128: {  	v26 =	vshll.u32 v25, $0x5  }
0x129: {  	v25 =	vand.u32 $0x7, v25;
	v26 =	vand.u32 $0xFFFFFF00, v26  }
0x12a: {  	v25 =	vor.u32 v25, v26  }
0x12b: {  	v26 =	vperm.xlane v25, v2;
	_ =	sdelay $0x1  }
0x12c: {  	v27 =	vperm.xlane v25, v4;
	v26 =	vadd.s32 v3, v26;
	_ =	sdelay $0x1  }
0x12d: {  	s0 =	sld [smem:$0x7D5];
	v60 =	vperm.xlane v25, v5;
	v27 =	vadd.s32 v3, v27;
	_ =	sdelay $0x1  }
0x12e: {  	s7 =	sld [smem:$0x7D6];
	v61 =	vperm.xlane v25, v6;
	v28 =	vadd.s32 v3, v60  }
0x12f: {  	[tilespmem:s0], [sflag:$0x1] =	stream.indirect_vreg.gather [hbm4b:s3+s2], $0x80, v26, vm0, $0xb8;
	[tilespmem:$0x4200] =	vst v63  }
0x130: {  	v62 =	vperm.xlane v25, v7;
	s0 =	sld [smem:$0x7D7];
	v26 =	vadd.s32 v3, v61  }
0x131: {  	[tilespmem:s7], [sflag:$0x1] =	stream.indirect_vreg.gather [hbm4b:s3+s2], $0x80, v27, vm0, $0xb8;
	[tilespmem:$0x4200] =	vst v63  }
0x132: {  	v63 =	vperm.xlane v25, v1;
	s7 =	sld [smem:$0x7D8];
	v27 =	vadd.s32 v3, v62  }
0x133: {  	[tilespmem:s0], [sflag:$0x1] =	stream.indirect_vreg.gather [hbm4b:s3+s2], $0x80, v28, vm0, $0xb8;
	[tilespmem:$0x4200] =	vst v63  }
0x134: {  	v33 =	vperm.xlane v25, v8;
	v32 =	vadd.s32 v3, v63;
	s0 =	sld [smem:$0x7D9]  }
0x135: {  	[tilespmem:s7], [sflag:$0x1] =	stream.indirect_vreg.gather [hbm4b:s3+s2], $0x80, v26, vm0, $0xb8;
	[tilespmem:$0x4200] =	vst v63  }
0x136: {  	v34 =	vperm.xlane v25, v0;
	s7 =	sld [smem:$0x7DA];
	v26 =	vadd.s32 v3, v33  }
0x137: {  	[tilespmem:s0], [sflag:$0x1] =	stream.indirect_vreg.gather [hbm4b:s3+s2], $0x80, v27, vm0, $0xb8;
	[tilespmem:$0x4200] =	vst v63  }
0x138: {  	v35 =	vperm.xlane v25, v9;
	s0 =	sld [smem:$0x7DB];
	v27 =	vadd.s32 v3, v34  }
0x139: {  	[tilespmem:s7], [sflag:$0x1] =	stream.indirect_vreg.gather [hbm4b:s3+s2], $0x80, v32, vm0, $0xb8;
	[tilespmem:$0x4200] =	vst v63  }
0x13a: {  	v37 =	vperm.xlane v25, v10;
	v36 =	vadd.s32 v3, v35;
	s7 =	sld [smem:$0x7DC]  }
0x13b: {  	[tilespmem:s0], [sflag:$0x1] =	stream.indirect_vreg.gather [hbm4b:s3+s2], $0x80, v26, vm0, $0xb8;
	[tilespmem:$0x4200] =	vst v63  }
0x13c: {  	v38 =	vperm.xlane v25, v11;
	s0 =	sld [smem:$0x7DD];
	v26 =	vadd.s32 v3, v37  }
0x13d: {  	[tilespmem:s7], [sflag:$0x1] =	stream.indirect_vreg.gather [hbm4b:s3+s2], $0x80, v27, vm0, $0xb8;
	[tilespmem:$0x4200] =	vst v63  }
0x13e: {  	v39 =	vperm.xlane v25, v13;
	s7 =	sld [smem:$0x7DE];
	v27 =	vadd.s32 v3, v38  }
0x13f: {  	[tilespmem:s0], [sflag:$0x1] =	stream.indirect_vreg.gather [hbm4b:s3+s2], $0x80, v36, vm0, $0xb8;
	[tilespmem:$0x4200] =	vst v63  }
0x140: {  	v41 =	vperm.xlane v25, v14;
	v40 =	vadd.s32 v3, v39;
	s0 =	sld [smem:$0x7DF]  }
0x141: {  	[tilespmem:s7], [sflag:$0x1] =	stream.indirect_vreg.gather [hbm4b:s3+s2], $0x80, v26, vm0, $0xb8;
	[tilespmem:$0x4200] =	vst v63  }
0x142: {  	v42 =	vperm.xlane v25, v15;
	s7 =	sld [smem:$0x7E0];
	v26 =	vadd.s32 v3, v41  }
0x143: {  	[tilespmem:s0], [sflag:$0x1] =	stream.indirect_vreg.gather [hbm4b:s3+s2], $0x80, v27, vm0, $0xb8;
	[tilespmem:$0x4200] =	vst v63  }
0x144: {  	v43 =	vperm.xlane v25, v16;
	s0 =	sld [smem:$0x7E1];
	v27 =	vadd.s32 v3, v42  }
0x145: {  	[tilespmem:s7], [sflag:$0x1] =	stream.indirect_vreg.gather [hbm4b:s3+s2], $0x80, v40, vm0, $0xb8;
	[tilespmem:$0x4200] =	vst v63  }
0x146: {  	v25 =	vperm.xlane v25, v17;
	v44 =	vadd.s32 v3, v43;
	s7 =	sld [smem:$0x7E2]  }
0x147: {  	[tilespmem:s0], [sflag:$0x1] =	stream.indirect_vreg.gather [hbm4b:s3+s2], $0x80, v26, vm0, $0xb8;
	[tilespmem:$0x4200] =	vst v63  }
0x148: {  	v25 =	vadd.s32 v3, v25;
	s0 =	sld [smem:$0x7E3]  }
0x149: {  	[tilespmem:s7], [sflag:$0x1] =	stream.indirect_vreg.gather [hbm4b:s3+s2], $0x80, v27, vm0, $0xb8;
	[tilespmem:$0x4200] =	vst v63  }
0x14a: {  	s7 =	sld [smem:$0x7E4]  }
0x14b: {  	[tilespmem:s0], [sflag:$0x1] =	stream.indirect_vreg.gather [hbm4b:s3+s2], $0x80, v44, vm0, $0xb8;
	[tilespmem:$0x4200] =	vst v63  }
0x14c: {  	_ = 	snop  }
0x14d: {  	[tilespmem:s7], [sflag:$0x1] =	stream.indirect_vreg.gather [hbm4b:s3+s2], $0x80, v25, vm0, $0xb8;
	[tilespmem:$0x4200] =	vst v63  }
0x14e: {  	v25 =	vld [tilespmem:$0x150];
	_ =	sdelay $0x4  }
0x14f: {  	v26 =	vshll.u32 v25, $0x5  }
0x150: {  	v25 =	vand.u32 $0x7, v25;
	v26 =	vand.u32 $0xFFFFFF00, v26  }
0x151: {  	v25 =	vor.u32 v25, v26  }
0x152: {  	v26 =	vperm.xlane v25, v2;
	_ =	sdelay $0x1  }
0x153: {  	v27 =	vperm.xlane v25, v4;
	v26 =	vadd.s32 v3, v26;
	_ =	sdelay $0x1  }
0x154: {  	s0 =	sld [smem:$0x7E5];
	v45 =	vperm.xlane v25, v5;
	v27 =	vadd.s32 v3, v27;
	_ =	sdelay $0x1  }
0x155: {  	s7 =	sld [smem:$0x7E6];
	v46 =	vperm.xlane v25, v6;
	v28 =	vadd.s32 v3, v45  }
0x156: {  	[tilespmem:s0], [sflag:$0x1] =	stream.indirect_vreg.gather [hbm4b:s3+s2], $0x80, v26, vm0, $0xb8;
	[tilespmem:$0x4200] =	vst v63  }
0x157: {  	v47 =	vperm.xlane v25, v7;
	s0 =	sld [smem:$0x7E7];
	v26 =	vadd.s32 v3, v46  }
0x158: {  	[tilespmem:s7], [sflag:$0x1] =	stream.indirect_vreg.gather [hbm4b:s3+s2], $0x80, v27, vm0, $0xb8;
	[tilespmem:$0x4200] =	vst v63  }
0x159: {  	v48 =	vperm.xlane v25, v1;
	s7 =	sld [smem:$0x7E8];
	v27 =	vadd.s32 v3, v47  }
0x15a: {  	[tilespmem:s0], [sflag:$0x1] =	stream.indirect_vreg.gather [hbm4b:s3+s2], $0x80, v28, vm0, $0xb8;
	[tilespmem:$0x4200] =	vst v63  }
0x15b: {  	v50 =	vperm.xlane v25, v8;
	v49 =	vadd.s32 v3, v48;
	s0 =	sld [smem:$0x7E9]  }
0x15c: {  	[tilespmem:s7], [sflag:$0x1] =	stream.indirect_vreg.gather [hbm4b:s3+s2], $0x80, v26, vm0, $0xb8;
	[tilespmem:$0x4200] =	vst v63  }
0x15d: {  	v51 =	vperm.xlane v25, v0;
	s7 =	sld [smem:$0x7EA];
	v26 =	vadd.s32 v3, v50  }
0x15e: {  	[tilespmem:s0], [sflag:$0x1] =	stream.indirect_vreg.gather [hbm4b:s3+s2], $0x80, v27, vm0, $0xb8;
	[tilespmem:$0x4200] =	vst v63  }
0x15f: {  	v52 =	vperm.xlane v25, v9;
	s0 =	sld [smem:$0x7EB];
	v27 =	vadd.s32 v3, v51  }
0x160: {  	[tilespmem:s7], [sflag:$0x1] =	stream.indirect_vreg.gather [hbm4b:s3+s2], $0x80, v49, vm0, $0xb8;
	[tilespmem:$0x4200] =	vst v63  }
0x161: {  	v54 =	vperm.xlane v25, v10;
	v53 =	vadd.s32 v3, v52;
	s7 =	sld [smem:$0x7EC]  }
0x162: {  	[tilespmem:s0], [sflag:$0x1] =	stream.indirect_vreg.gather [hbm4b:s3+s2], $0x80, v26, vm0, $0xb8;
	[tilespmem:$0x4200] =	vst v63  }
0x163: {  	v55 =	vperm.xlane v25, v11;
	s0 =	sld [smem:$0x7ED];
	v26 =	vadd.s32 v3, v54  }
0x164: {  	[tilespmem:s7], [sflag:$0x1] =	stream.indirect_vreg.gather [hbm4b:s3+s2], $0x80, v27, vm0, $0xb8;
	[tilespmem:$0x4200] =	vst v63  }
0x165: {  	v56 =	vperm.xlane v25, v13;
	s7 =	sld [smem:$0x7EE];
	v27 =	vadd.s32 v3, v55  }
0x166: {  	[tilespmem:s0], [sflag:$0x1] =	stream.indirect_vreg.gather [hbm4b:s3+s2], $0x80, v53, vm0, $0xb8;
	[tilespmem:$0x4200] =	vst v63  }
0x167: {  	v58 =	vperm.xlane v25, v14;
	v57 =	vadd.s32 v3, v56;
	s0 =	sld [smem:$0x7EF]  }
0x168: {  	[tilespmem:s7], [sflag:$0x1] =	stream.indirect_vreg.gather [hbm4b:s3+s2], $0x80, v26, vm0, $0xb8;
	[tilespmem:$0x4200] =	vst v63  }
0x169: {  	v59 =	vperm.xlane v25, v15;
	s7 =	sld [smem:$0x7F0];
	v26 =	vadd.s32 v3, v58  }
0x16a: {  	[tilespmem:s0], [sflag:$0x1] =	stream.indirect_vreg.gather [hbm4b:s3+s2], $0x80, v27, vm0, $0xb8;
	[tilespmem:$0x4200] =	vst v63  }
0x16b: {  	v60 =	vperm.xlane v25, v16;
	s0 =	sld [smem:$0x7F1];
	v27 =	vadd.s32 v3, v59  }
0x16c: {  	[tilespmem:s7], [sflag:$0x1] =	stream.indirect_vreg.gather [hbm4b:s3+s2], $0x80, v57, vm0, $0xb8;
	[tilespmem:$0x4200] =	vst v63  }
0x16d: {  	v25 =	vperm.xlane v25, v17;
	v61 =	vadd.s32 v3, v60;
	s7 =	sld [smem:$0x7F2]  }
0x16e: {  	[tilespmem:s0], [sflag:$0x1] =	stream.indirect_vreg.gather [hbm4b:s3+s2], $0x80, v26, vm0, $0xb8;
	[tilespmem:$0x4200] =	vst v63  }
0x16f: {  	v25 =	vadd.s32 v3, v25;
	s0 =	sld [smem:$0x7F3]  }
0x170: {  	[tilespmem:s7], [sflag:$0x1] =	stream.indirect_vreg.gather [hbm4b:s3+s2], $0x80, v27, vm0, $0xb8;
	[tilespmem:$0x4200] =	vst v63  }
0x171: {  	s7 =	sld [smem:$0x7F4]  }
0x172: {  	[tilespmem:s0], [sflag:$0x1] =	stream.indirect_vreg.gather [hbm4b:s3+s2], $0x80, v61, vm0, $0xb8;
	[tilespmem:$0x4200] =	vst v63  }
0x173: {  	_ = 	snop  }
0x174: {  	[tilespmem:s7], [sflag:$0x1] =	stream.indirect_vreg.gather [hbm4b:s3+s2], $0x80, v25, vm0, $0xb8;
	[tilespmem:$0x4200] =	vst v63  }
0x175: {  	v25 =	vld [tilespmem:$0x160];
	_ =	sdelay $0x4  }
0x176: {  	v26 =	vshll.u32 v25, $0x5  }
0x177: {  	v25 =	vand.u32 $0x7, v25;
	v26 =	vand.u32 $0xFFFFFF00, v26  }
0x178: {  	v25 =	vor.u32 v25, v26  }
0x179: {  	v26 =	vperm.xlane v25, v2;
	_ =	sdelay $0x1  }
0x17a: {  	v27 =	vperm.xlane v25, v4;
	v26 =	vadd.s32 v3, v26;
	_ =	sdelay $0x1  }
0x17b: {  	s0 =	sld [smem:$0x7F5];
	v62 =	vperm.xlane v25, v5;
	v27 =	vadd.s32 v3, v27;
	_ =	sdelay $0x1  }
0x17c: {  	s7 =	sld [smem:$0x7F6];
	v63 =	vperm.xlane v25, v6;
	v28 =	vadd.s32 v3, v62  }
0x17d: {  	[tilespmem:s0], [sflag:$0x1] =	stream.indirect_vreg.gather [hbm4b:s3+s2], $0x80, v26, vm0, $0xb8;
	[tilespmem:$0x4200] =	vst v63  }
0x17e: {  	v32 =	vperm.xlane v25, v7;
	s0 =	sld [smem:$0x7F7];
	v26 =	vadd.s32 v3, v63  }
0x17f: {  	[tilespmem:s7], [sflag:$0x1] =	stream.indirect_vreg.gather [hbm4b:s3+s2], $0x80, v27, vm0, $0xb8;
	[tilespmem:$0x4200] =	vst v63  }
0x180: {  	v33 =	vperm.xlane v25, v1;
	s7 =	sld [smem:$0x7F8];
	v27 =	vadd.s32 v3, v32  }
0x181: {  	[tilespmem:s0], [sflag:$0x1] =	stream.indirect_vreg.gather [hbm4b:s3+s2], $0x80, v28, vm0, $0xb8;
	[tilespmem:$0x4200] =	vst v63  }
0x182: {  	v35 =	vperm.xlane v25, v8;
	v34 =	vadd.s32 v3, v33;
	s0 =	sld [smem:$0x7F9]  }
0x183: {  	[tilespmem:s7], [sflag:$0x1] =	stream.indirect_vreg.gather [hbm4b:s3+s2], $0x80, v26, vm0, $0xb8;
	[tilespmem:$0x4200] =	vst v63  }
0x184: {  	v36 =	vperm.xlane v25, v0;
	s7 =	sld [smem:$0x7FA];
	v26 =	vadd.s32 v3, v35  }
0x185: {  	[tilespmem:s0], [sflag:$0x1] =	stream.indirect_vreg.gather [hbm4b:s3+s2], $0x80, v27, vm0, $0xb8;
	[tilespmem:$0x4200] =	vst v63  }
0x186: {  	v37 =	vperm.xlane v25, v9;
	s0 =	sld [smem:$0x7FB];
	v27 =	vadd.s32 v3, v36  }
0x187: {  	[tilespmem:s7], [sflag:$0x1] =	stream.indirect_vreg.gather [hbm4b:s3+s2], $0x80, v34, vm0, $0xb8;
	[tilespmem:$0x4200] =	vst v63  }
0x188: {  	v39 =	vperm.xlane v25, v10;
	v38 =	vadd.s32 v3, v37;
	s7 =	sld [smem:$0x7FC]  }
0x189: {  	[tilespmem:s0], [sflag:$0x1] =	stream.indirect_vreg.gather [hbm4b:s3+s2], $0x80, v26, vm0, $0xb8;
	[tilespmem:$0x4200] =	vst v63  }
0x18a: {  	v40 =	vperm.xlane v25, v11;
	s0 =	sld [smem:$0x7FD];
	v26 =	vadd.s32 v3, v39  }
0x18b: {  	[tilespmem:s7], [sflag:$0x1] =	stream.indirect_vreg.gather [hbm4b:s3+s2], $0x80, v27, vm0, $0xb8;
	[tilespmem:$0x4200] =	vst v63  }
0x18c: {  	v41 =	vperm.xlane v25, v13;
	v27 =	vadd.s32 v3, v40  }
0x18d: {  	[tilespmem:s0], [sflag:$0x1] =	stream.indirect_vreg.gather [hbm4b:s3+s2], $0x80, v38, vm0, $0xb8;
	[tilespmem:$0x4200] =	vst v63  }
0x18e: {  	v43 =	vperm.xlane v25, v14;
	v42 =	vadd.s32 v3, v41;
	s7 =	simm.s32 $0x3600  }
0x18f: {  	[tilespmem:s7], [sflag:$0x1] =	stream.indirect_vreg.gather [hbm4b:s3+s2], $0x80, v26, vm0, $0xb8;
	[tilespmem:$0x4200] =	vst v63  }
0x190: {  	v44 =	vperm.xlane v25, v15;
	v26 =	vadd.s32 v3, v43  }
0x191: {  	[tilespmem:s8], [sflag:$0x1] =	stream.indirect_vreg.gather [hbm4b:s3+s2], $0x80, v27, vm0, $0xb8;
	[tilespmem:$0x4200] =	vst v63  }
0x192: {  	v45 =	vperm.xlane v25, v16;
	v27 =	vadd.s32 v3, v44  }
0x193: {  	[tilespmem:s9], [sflag:$0x1] =	stream.indirect_vreg.gather [hbm4b:s3+s2], $0x80, v42, vm0, $0xb8;
	[tilespmem:$0x4200] =	vst v63  }
0x194: {  	v25 =	vperm.xlane v25, v17;
	v46 =	vadd.s32 v3, v45  }
0x195: {  	[tilespmem:s10], [sflag:$0x1] =	stream.indirect_vreg.gather [hbm4b:s3+s2], $0x80, v26, vm0, $0xb8;
	[tilespmem:$0x4200] =	vst v63  }
0x196: {  	v25 =	vadd.s32 v3, v25  }
0x197: {  	[tilespmem:s11], [sflag:$0x1] =	stream.indirect_vreg.gather [hbm4b:s3+s2], $0x80, v27, vm0, $0xb8;
	[tilespmem:$0x4200] =	vst v63  }
0x198: {  	_ = 	snop  }
0x199: {  	[tilespmem:s12], [sflag:$0x1] =	stream.indirect_vreg.gather [hbm4b:s3+s2], $0x80, v46, vm0, $0xb8;
	[tilespmem:$0x4200] =	vst v63  }
0x19a: {  	_ = 	snop  }
0x19b: {  	[tilespmem:s13], [sflag:$0x1] =	stream.indirect_vreg.gather [hbm4b:s3+s2], $0x80, v25, vm0, $0xb8;
	[tilespmem:$0x4200] =	vst v63  }
0x19c: {  	v25 =	vld [tilespmem:$0x170];
	_ =	sdelay $0x4  }
0x19d: {  	v26 =	vshll.u32 v25, $0x5  }
0x19e: {  	v25 =	vand.u32 $0x7, v25;
	v26 =	vand.u32 $0xFFFFFF00, v26  }
0x19f: {  	v25 =	vor.u32 v25, v26  }
0x1a0: {  	v26 =	vperm.xlane v25, v2;
	_ =	sdelay $0x1  }
0x1a1: {  	v27 =	vperm.xlane v25, v4;
	v26 =	vadd.s32 v3, v26;
	_ =	sdelay $0x1  }
0x1a2: {  	v47 =	vperm.xlane v25, v5;
	v27 =	vadd.s32 v3, v27;
	_ =	sdelay $0x1  }
0x1a3: {  	v48 =	vperm.xlane v25, v6;
	v28 =	vadd.s32 v3, v47  }
0x1a4: {  	[tilespmem:s14], [sflag:$0x1] =	stream.indirect_vreg.gather [hbm4b:s3+s2], $0x80, v26, vm0, $0xb8;
	[tilespmem:$0x4200] =	vst v63  }
0x1a5: {  	v49 =	vperm.xlane v25, v7;
	v26 =	vadd.s32 v3, v48  }
0x1a6: {  	[tilespmem:s15], [sflag:$0x1] =	stream.indirect_vreg.gather [hbm4b:s3+s2], $0x80, v27, vm0, $0xb8;
	[tilespmem:$0x4200] =	vst v63  }
0x1a7: {  	v50 =	vperm.xlane v25, v1;
	v27 =	vadd.s32 v3, v49  }
0x1a8: {  	[tilespmem:s16], [sflag:$0x1] =	stream.indirect_vreg.gather [hbm4b:s3+s2], $0x80, v28, vm0, $0xb8;
	[tilespmem:$0x4200] =	vst v63  }
0x1a9: {  	v52 =	vperm.xlane v25, v8;
	v51 =	vadd.s32 v3, v50  }
0x1aa: {  	[tilespmem:s17], [sflag:$0x1] =	stream.indirect_vreg.gather [hbm4b:s3+s2], $0x80, v26, vm0, $0xb8;
	[tilespmem:$0x4200] =	vst v63  }
0x1ab: {  	v53 =	vperm.xlane v25, v0;
	v26 =	vadd.s32 v3, v52  }
0x1ac: {  	[tilespmem:s18], [sflag:$0x1] =	stream.indirect_vreg.gather [hbm4b:s3+s2], $0x80, v27, vm0, $0xb8;
	[tilespmem:$0x4200] =	vst v63  }
0x1ad: {  	v54 =	vperm.xlane v25, v9;
	v27 =	vadd.s32 v3, v53  }
0x1ae: {  	[tilespmem:s19], [sflag:$0x1] =	stream.indirect_vreg.gather [hbm4b:s3+s2], $0x80, v51, vm0, $0xb8;
	[tilespmem:$0x4200] =	vst v63  }
0x1af: {  	v56 =	vperm.xlane v25, v10;
	v55 =	vadd.s32 v3, v54  }
0x1b0: {  	[tilespmem:s20], [sflag:$0x1] =	stream.indirect_vreg.gather [hbm4b:s3+s2], $0x80, v26, vm0, $0xb8;
	[tilespmem:$0x4200] =	vst v63  }
0x1b1: {  	v57 =	vperm.xlane v25, v11;
	v26 =	vadd.s32 v3, v56  }
0x1b2: {  	[tilespmem:s21], [sflag:$0x1] =	stream.indirect_vreg.gather [hbm4b:s3+s2], $0x80, v27, vm0, $0xb8;
	[tilespmem:$0x4200] =	vst v63  }
0x1b3: {  	v58 =	vperm.xlane v25, v13;
	v27 =	vadd.s32 v3, v57  }
0x1b4: {  	[tilespmem:s22], [sflag:$0x1] =	stream.indirect_vreg.gather [hbm4b:s3+s2], $0x80, v55, vm0, $0xb8;
	[tilespmem:$0x4200] =	vst v63  }
0x1b5: {  	v60 =	vperm.xlane v25, v14;
	v59 =	vadd.s32 v3, v58  }
0x1b6: {  	[tilespmem:s23], [sflag:$0x1] =	stream.indirect_vreg.gather [hbm4b:s3+s2], $0x80, v26, vm0, $0xb8;
	[tilespmem:$0x4200] =	vst v63  }
0x1b7: {  	v61 =	vperm.xlane v25, v15;
	v26 =	vadd.s32 v3, v60  }
0x1b8: {  	[tilespmem:s24], [sflag:$0x1] =	stream.indirect_vreg.gather [hbm4b:s3+s2], $0x80, v27, vm0, $0xb8;
	[tilespmem:$0x4200] =	vst v63  }
0x1b9: {  	v62 =	vperm.xlane v25, v16;
	v27 =	vadd.s32 v3, v61  }
0x1ba: {  	[tilespmem:s25], [sflag:$0x1] =	stream.indirect_vreg.gather [hbm4b:s3+s2], $0x80, v59, vm0, $0xb8;
	[tilespmem:$0x4200] =	vst v63  }
0x1bb: {  	v25 =	vperm.xlane v25, v17;
	v63 =	vadd.s32 v3, v62  }
0x1bc: {  	[tilespmem:s26], [sflag:$0x1] =	stream.indirect_vreg.gather [hbm4b:s3+s2], $0x80, v26, vm0, $0xb8;
	[tilespmem:$0x4200] =	vst v63  }
0x1bd: {  	v25 =	vadd.s32 v3, v25  }
0x1be: {  	[tilespmem:s28], [sflag:$0x1] =	stream.indirect_vreg.gather [hbm4b:s3+s2], $0x80, v27, vm0, $0xb8;
	[tilespmem:$0x4200] =	vst v63  }
0x1bf: {  	_ = 	snop  }
0x1c0: {  	[tilespmem:s29], [sflag:$0x1] =	stream.indirect_vreg.gather [hbm4b:s3+s2], $0x80, v63, vm0, $0xb8;
	[tilespmem:$0x4200] =	vst v63  }
0x1c1: {  	_ = 	snop  }
0x1c2: {  	[tilespmem:s30], [sflag:$0x1] =	stream.indirect_vreg.gather [hbm4b:s3+s2], $0x80, v25, vm0, $0xb8;
	[tilespmem:$0x4200] =	vst v63  }
0x1c3: {  	_ =	swait.ge [sflag:s31], $0x4000  }
0x1c4: {  	[sflag:s31] =	ssyncset.done $0x0  }
0x1c5: {  	[sflag:s31] =	ssyncadd.s32 $0xFFFFC000  }
0x1c6: {  	v25 =	vld.idx.msk [tilespmem:v12+s6+$0x0], $0xffff;
	_ =	sdelay $0x4  }
0x1c7: {  	v25 =	vmul.f32 $3.000000000e+01, v25;
	_ =	sdelay $0x1  }
0x1c8: {  	[tilespmem:$0x4180] =	vst v25  }
0x1c9: {  	v25 =	vld.idx.msk [tilespmem:v18+s6+$0x0], $0xffff;
	_ =	sdelay $0x4  }
0x1ca: {  	v25 =	vmul.f32 $3.000000000e+01, v25;
	_ =	sdelay $0x1  }
0x1cb: {  	[tilespmem:$0x4190] =	vst v25  }
0x1cc: {  	v25 =	vld.idx.msk [tilespmem:v19+s6+$0x0], $0xffff;
	_ =	sdelay $0x4  }
0x1cd: {  	v25 =	vmul.f32 $3.000000000e+01, v25;
	_ =	sdelay $0x1  }
0x1ce: {  	[tilespmem:$0x41A0] =	vst v25  }
0x1cf: {  	v25 =	vld.idx.msk [tilespmem:v20+s6+$0x0], $0xffff;
	_ =	sdelay $0x4  }
0x1d0: {  	v25 =	vmul.f32 $3.000000000e+01, v25;
	_ =	sdelay $0x1  }
0x1d1: {  	[tilespmem:$0x41B0] =	vst v25  }
0x1d2: {  	v25 =	vld.idx.msk [tilespmem:v21+s6+$0x0], $0xffff;
	_ =	sdelay $0x4  }
0x1d3: {  	v25 =	vmul.f32 $3.000000000e+01, v25;
	_ =	sdelay $0x1  }
0x1d4: {  	[tilespmem:$0x41C0] =	vst v25  }
0x1d5: {  	v25 =	vld.idx.msk [tilespmem:v22+s6+$0x0], $0xffff;
	_ =	sdelay $0x4  }
0x1d6: {  	v25 =	vmul.f32 $3.000000000e+01, v25;
	_ =	sdelay $0x1  }
0x1d7: {  	[tilespmem:$0x41D0] =	vst v25  }
0x1d8: {  	v25 =	vld.idx.msk [tilespmem:v23+s6+$0x0], $0xffff;
	_ =	sdelay $0x4  }
0x1d9: {  	v25 =	vmul.f32 $3.000000000e+01, v25;
	_ =	sdelay $0x1  }
0x1da: {  	[tilespmem:$0x41E0] =	vst v25  }
0x1db: {  	v25 =	vld.idx.msk [tilespmem:v24+s6+$0x0], $0xffff;
	_ =	sdelay $0x4  }
0x1dc: {  	v25 =	vmul.f32 $3.000000000e+01, v25  }
0x1dd: {  	p0 =	sne.s32 s4, $0x1  }
.Ltmp0:
0x1de: {  	s7 =	rddreg [dreg:$0x6];
	[tilespmem:$0x41F0] =	vst v25;
	(pc) =	sbr.rel @p0 .LBB2_1-.Ltmp0, $4  }
0x1df: {  	[hbm4b:s7+s2] =	stream.linear.scatter [tilespmem:s1], [sflag:$0x2], $0x80, $0x38;
	[tilespmem:$0x4200] =	vst v63  }
0x1e0: {  	_ =	swait.ge [sflag:s5], $0x80  }
0x1e1: {  	[sflag:s5] =	ssyncset.done $0x0  }
0x1e2: {  	s4 =	sadd.s32 $0xFFFFFFFF, s4;
	[sflag:s5] =	ssyncadd.s32 $0xFFFFFF80  }
0x1e3: {  	_ =	sfence.sel $0x180000  }
0x1e4: {  	[bflag:$0x0] =	sbarrier.arrive $0xFFFF  }
0x1e5: {  	_ =	strace $0x90000047  }
0x1e6: {  	s0 =	stileid.u32;
	[bflag:$0x2] =	sbarrier.arrive $0xFFFF  }
0x1e7: {  	p0 =	sne.s32 s0, $0x0;
	s0 =	rddreg [dreg:$0x3]  }
0x1e8: {  	s0 =	sadd.s32 @!p0 $0x100000, s0  }
0x1e9: {  	[sflag:s0] =	ssyncadd.tile.s32 @!p0 $0x1;
	_ =	shalt  }
.Lfunc_end2:
_tile_overlayer_lowered:
.L_overlay_start_2:
0x1ea: {  	(tag) =	ssettag $0x2  }
0x1eb: {  	s0 =	rddreg [dreg:$0x0];
	s2 =	stileid.u32  }
0x1ec: {  	s1 =	rddreg [dreg:$0x1];
	p0 =	sne.s32 s2, $0x0  }
0x1ed: {  	s3 =	rddreg [dreg:$0x2];
	[bflag:$0x3] =	sbarrier.arrive $0xFFFF;
	s2 =	simm.s32 @!p0 $0x1C02  }
0x1ee: {  	[timem:s3], [sflag:s2] =	dma.local @!p0 [hbm:s0], s1  }
0x1ef: {  	s0 =	simm.s32 @!p0 $0x2  }
0x1f0: {  	_ =	swait.ge @!p0 [sflag:s0], s1  }
0x1f1: {  	s1 =	ssub.s32 @!p0 $0x0, s1;
	[sflag:s0] =	ssyncset.done @!p0 $0x0  }
0x1f2: {  	[sflag:s0] =	ssyncadd.s32 @!p0 s1  }
0x1f3: {  	[bflag:$0x3] =	sbarrier.arrive $0xFFFF  }
0x1f4: {  	_ =	shalt  }

</sc_bundles>
